<compile_context>
chip_gen: v7x
topology: tpu7x:2x2x1
jax: 0.10.2.dev20260603
libtpu: 0.0.44.dev20260713+nightly
codegen_flags: <defaults>
</compile_context>

<pallas_src>
import functools

import jax
import jax.numpy as jnp
from jax import lax
from jax.experimental import pallas as pl
from jax.experimental.pallas import tpu as pltpu
from jax.experimental.pallas import tpu_sc as plsc

VOCAB = 100000
EMB = 128
BATCH = 4096
SEQ = 200

NC = 2
NS = 16
NW = NC * NS

B = BATCH * SEQ
B_PER_W = B // NW
CHUNK = 64
NBUF = 8
NSTG = 4
N_CHUNKS = B_PER_W // CHUNK
assert N_CHUNKS % NBUF == 0 and NBUF % NSTG == 0


@functools.partial(
    pl.kernel,
    out_type=jax.ShapeDtypeStruct((B, EMB), jnp.float32),
    mesh=plsc.VectorSubcoreMesh(
        core_axis_name="c", subcore_axis_name="s", num_cores=NC, num_subcores=NS
    ),
    scratch_types=[
        pltpu.VMEM((B_PER_W,), jnp.int32),
        pltpu.VMEM((NBUF, CHUNK, EMB), jnp.float32),
        pltpu.VMEM_SHARED((NS, NSTG, CHUNK, EMB), jnp.float32),
        [pltpu.SemaphoreType.DMA] * NBUF,
        [pltpu.SemaphoreType.DMA] * NBUF,
        [pltpu.SemaphoreType.DMA] * NSTG,
    ],
)
def _gather_kernel(x_hbm, table_hbm, out_hbm, idx_all, rows_v, stage_sp,
                   gsems, ssems, osems):
    sid = lax.axis_index("s")
    wid = sid * NC + lax.axis_index("c")
    base = wid * B_PER_W
    pltpu.sync_copy(x_hbm.at[pl.ds(base, B_PER_W)], idx_all)

    def start_gather(cur, b):
        pltpu.async_copy(
            table_hbm.at[idx_all.at[pl.ds(cur * CHUNK, CHUNK)]],
            rows_v.at[b],
            gsems[b],
        )

    def wait_gather(b):
        pltpu.make_async_copy(table_hbm.at[idx_all.at[pl.ds(0, CHUNK)]],
                              rows_v.at[b], gsems[b]).wait()

    def start_scatter(b, t):
        pltpu.async_copy(rows_v.at[b], stage_sp.at[sid, t], ssems[b])

    def wait_scatter(b, t):
        pltpu.make_async_copy(rows_v.at[b], stage_sp.at[sid, t], ssems[b]).wait()

    def start_out(cur, t):
        pltpu.async_copy(
            stage_sp.at[sid, t], out_hbm.at[pl.ds(base + cur * CHUNK, CHUNK)],
            osems[t],
        )

    def wait_out(t):
        pltpu.make_async_copy(stage_sp.at[sid, t],
                              out_hbm.at[pl.ds(base, CHUNK)], osems[t]).wait()

    for p in range(NBUF - 1):
        start_gather(p, p)

    @pl.loop(0, N_CHUNKS, step=NBUF)
    def _(g):
        for b in range(NBUF):
            cur = g + b
            t = b % NSTG
            pb = (b + NBUF - 1) % NBUF
            pt = (b + NBUF - 1) % NSTG

            wait_gather(b)

            @pl.when(cur >= NSTG)
            def _():
                wait_out(t)

            start_scatter(b, t)

            nxt = cur + NBUF - 1

            @pl.when(cur >= 1)
            def _():
                wait_scatter(pb, pt)
                start_out(cur - 1, pt)

            @pl.when(nxt < N_CHUNKS)
            def _():
                start_gather(nxt, pb)

    lb = (N_CHUNKS - 1) % NBUF
    lt = (N_CHUNKS - 1) % NSTG
    wait_scatter(lb, lt)
    start_out(N_CHUNKS - 1, lt)
    for t in range(NSTG):
        wait_out(t)


def kernel(x, table):
    out = _gather_kernel(x.reshape(-1), table)
    return out.reshape(BATCH, SEQ, EMB)

# --- scband reference (transcript-rebuilt; emitter-appended) ---
"""Pipeline reference for scband-rnnembeddings-73306501808144 (READ-ONLY COPY).

The authoritative reference and input builder live on the scoring server;
editing this copy changes nothing except your own understanding.
"""

import jax, jax.numpy as jnp
import numpy as np

VOCAB = 100000
EMB = 128
UNK_IDX = 1
BATCH = 4096
SEQ = 200

def setup_inputs(seed: int = 0):
    key = jax.random.key(seed)
    k1, k2 = jax.random.split(key)
    x = jax.random.randint(k1, (BATCH, SEQ), 0, VOCAB)
    table = jax.random.normal(k2, (VOCAB, EMB), dtype=jnp.float32) * 0.02
    return {"x": x, "table": table}

def reference(x, table):
    # mask out-of-vocab tokens to unk_idx (faithful to masked_fill_)
    token_mask = x >= VOCAB
    x = jnp.where(token_mask, UNK_IDX, x)
    # embedding lookup
    out = jnp.take(table, x, axis=0)
    # dropout in eval/deterministic mode acts as identity
    return out

if __name__ == "__main__":
    import jax
    _d = setup_inputs()
    print(jax.jit(kernel)(*tuple(_d.values())))

</pallas_src>

<mosaic_0001>
#map = affine_map<(d0, d1) -> (0)>
#map1 = affine_map<(d0, d1) -> (0, 0)>
module attributes {stable_mosaic.version = 14 : i64} {
  func.func @_gather_kernel(%arg0: i32, %arg1: i32, %arg2: memref<819200xi32, #tpu.memory_space<hbm>>, %arg3: memref<100000x128xf32, #tpu.memory_space<hbm>>, %arg4: memref<819200x128xf32, #tpu.memory_space<hbm>>, %arg5: memref<25600xi32, #tpu.memory_space<vmem>>, %arg6: memref<8x64x128xf32, #tpu.memory_space<vmem>>, %arg7: memref<16x4x64x128xf32, #tpu.memory_space<vmem_shared>>, %arg8: memref<!tpu.dma_semaphore, #tpu.memory_space<semaphore_mem>>, %arg9: memref<!tpu.dma_semaphore, #tpu.memory_space<semaphore_mem>>, %arg10: memref<!tpu.dma_semaphore, #tpu.memory_space<semaphore_mem>>, %arg11: memref<!tpu.dma_semaphore, #tpu.memory_space<semaphore_mem>>, %arg12: memref<!tpu.dma_semaphore, #tpu.memory_space<semaphore_mem>>, %arg13: memref<!tpu.dma_semaphore, #tpu.memory_space<semaphore_mem>>, %arg14: memref<!tpu.dma_semaphore, #tpu.memory_space<semaphore_mem>>, %arg15: memref<!tpu.dma_semaphore, #tpu.memory_space<semaphore_mem>>, %arg16: memref<!tpu.dma_semaphore, #tpu.memory_space<semaphore_mem>>, %arg17: memref<!tpu.dma_semaphore, #tpu.memory_space<semaphore_mem>>, %arg18: memref<!tpu.dma_semaphore, #tpu.memory_space<semaphore_mem>>, %arg19: memref<!tpu.dma_semaphore, #tpu.memory_space<semaphore_mem>>, %arg20: memref<!tpu.dma_semaphore, #tpu.memory_space<semaphore_mem>>, %arg21: memref<!tpu.dma_semaphore, #tpu.memory_space<semaphore_mem>>, %arg22: memref<!tpu.dma_semaphore, #tpu.memory_space<semaphore_mem>>, %arg23: memref<!tpu.dma_semaphore, #tpu.memory_space<semaphore_mem>>, %arg24: memref<!tpu.dma_semaphore, #tpu.memory_space<semaphore_mem>>, %arg25: memref<!tpu.dma_semaphore, #tpu.memory_space<semaphore_mem>>, %arg26: memref<!tpu.dma_semaphore, #tpu.memory_space<semaphore_mem>>, %arg27: memref<!tpu.dma_semaphore, #tpu.memory_space<semaphore_mem>>) attributes {dimension_semantics = [#tpu.dimension_semantics<core_parallel>, #tpu.dimension_semantics<subcore_parallel>], iteration_bounds = array<i64: 2, 16>, scalar_prefetch = 0 : i64, scratch_operands = 23 : i64, tpu.core_type = #tpu.core_type<sc_vector_subcore>, window_params = [{transform_indices = #map}, {transform_indices = #map1}, {transform_indices = #map1}]} {
    %mul3A = arith.constant 2 : i32
    %mul3A_0 = arith.muli %arg1, %mul3A : i32
    %add3A = arith.addi %mul3A_0, %arg0 : i32
    %mul3A_1 = arith.constant 25600 : i32
    %mul3A_2 = arith.muli %add3A, %mul3A_1 : i32
    "tpu.region"() ({
      %run_scoped3A = tpu.sem_alloc : memref<!tpu.dma_semaphore, #tpu.memory_space<semaphore_mem>>
      %dma_start3A_130 = tpu.memref_slice %arg2[%mul3A_2] : memref<819200xi32, #tpu.memory_space<hbm>> -> memref<25600xi32, #tpu.memory_space<hbm>>
      %dma_start3A_131 = tpu.memref_slice %arg2[%mul3A_2] : memref<819200xi32, #tpu.memory_space<hbm>> -> memref<25600xi32, #tpu.memory_space<hbm>>
      tpu.enqueue_dma source(%dma_start3A_131 : memref<25600xi32, #tpu.memory_space<hbm>>) target(%arg5 : memref<25600xi32, #tpu.memory_space<vmem>>) target_semaphore(%run_scoped3A : memref<!tpu.dma_semaphore, #tpu.memory_space<semaphore_mem>>)
      %dma_wait3A_132 = tpu.memref_slice %arg2[%mul3A_2] : memref<819200xi32, #tpu.memory_space<hbm>> -> memref<25600xi32, #tpu.memory_space<hbm>>
      %dma_wait3A_133 = tpu.memref_slice %arg2[%mul3A_2] : memref<819200xi32, #tpu.memory_space<hbm>> -> memref<25600xi32, #tpu.memory_space<hbm>>
      tpu.wait_dma2 semaphore(%run_scoped3A : memref<!tpu.dma_semaphore, #tpu.memory_space<semaphore_mem>>) src(%dma_wait3A_133 : memref<25600xi32, #tpu.memory_space<hbm>>) dst(%arg5 : memref<25600xi32, #tpu.memory_space<vmem>>)
      tpu.yield
    }) : () -> ()
    %dma_start3A = arith.constant 0 : i32
    %dma_start3A_3 = arith.constant 0 : i32
    %dma_start3A_4 = arith.constant 0 : i32
    %dma_start3A_5 = tpu.memref_slice %arg6[%dma_start3A, %dma_start3A_3, %dma_start3A_4] : memref<8x64x128xf32, #tpu.memory_space<vmem>> -> memref<1x64x128xf32, #tpu.memory_space<vmem>>
    %dma_start3A_6 = tpu.memref_squeeze %dma_start3A_5 : memref<1x64x128xf32, #tpu.memory_space<vmem>> -> memref<64x128xf32, #tpu.memory_space<vmem>>
    %dma_start3A_7 = arith.constant 0 : i32
    %dma_start3A_8 = tpu.memref_slice %arg5[%dma_start3A_7] : memref<25600xi32, #tpu.memory_space<vmem>> -> memref<64xi32, #tpu.memory_space<vmem>>
    %dma_start3A_9 = arith.constant 0 : i32
    %dma_start3A_10 = arith.constant 0 : i32
    %dma_start3A_11 = tpu.memref_slice %arg3[%dma_start3A_9, %dma_start3A_10] : memref<100000x128xf32, #tpu.memory_space<hbm>> -> memref<100000x128xf32, #tpu.memory_space<hbm>>
    tpu.enqueue_indirect_dma source(%dma_start3A_11 : memref<100000x128xf32, #tpu.memory_space<hbm>>) target(%dma_start3A_6 : memref<64x128xf32, #tpu.memory_space<vmem>>) offsets(%dma_start3A_8 : memref<64xi32, #tpu.memory_space<vmem>>) semaphore(%arg8 : memref<!tpu.dma_semaphore, #tpu.memory_space<semaphore_mem>>)
    %dma_start3A_12 = arith.constant 1 : i32
    %dma_start3A_13 = arith.constant 0 : i32
    %dma_start3A_14 = arith.constant 0 : i32
    %dma_start3A_15 = tpu.memref_slice %arg6[%dma_start3A_12, %dma_start3A_13, %dma_start3A_14] : memref<8x64x128xf32, #tpu.memory_space<vmem>> -> memref<1x64x128xf32, #tpu.memory_space<vmem>>
    %dma_start3A_16 = tpu.memref_squeeze %dma_start3A_15 : memref<1x64x128xf32, #tpu.memory_space<vmem>> -> memref<64x128xf32, #tpu.memory_space<vmem>>
    %dma_start3A_17 = arith.constant 64 : i32
    %dma_start3A_18 = tpu.memref_slice %arg5[%dma_start3A_17] : memref<25600xi32, #tpu.memory_space<vmem>> -> memref<64xi32, #tpu.memory_space<vmem>>
    %dma_start3A_19 = arith.constant 0 : i32
    %dma_start3A_20 = arith.constant 0 : i32
    %dma_start3A_21 = tpu.memref_slice %arg3[%dma_start3A_19, %dma_start3A_20] : memref<100000x128xf32, #tpu.memory_space<hbm>> -> memref<100000x128xf32, #tpu.memory_space<hbm>>
    tpu.enqueue_indirect_dma source(%dma_start3A_21 : memref<100000x128xf32, #tpu.memory_space<hbm>>) target(%dma_start3A_16 : memref<64x128xf32, #tpu.memory_space<vmem>>) offsets(%dma_start3A_18 : memref<64xi32, #tpu.memory_space<vmem>>) semaphore(%arg9 : memref<!tpu.dma_semaphore, #tpu.memory_space<semaphore_mem>>)
    %dma_start3A_22 = arith.constant 2 : i32
    %dma_start3A_23 = arith.constant 0 : i32
    %dma_start3A_24 = arith.constant 0 : i32
    %dma_start3A_25 = tpu.memref_slice %arg6[%dma_start3A_22, %dma_start3A_23, %dma_start3A_24] : memref<8x64x128xf32, #tpu.memory_space<vmem>> -> memref<1x64x128xf32, #tpu.memory_space<vmem>>
    %dma_start3A_26 = tpu.memref_squeeze %dma_start3A_25 : memref<1x64x128xf32, #tpu.memory_space<vmem>> -> memref<64x128xf32, #tpu.memory_space<vmem>>
    %dma_start3A_27 = arith.constant 128 : i32
    %dma_start3A_28 = tpu.memref_slice %arg5[%dma_start3A_27] : memref<25600xi32, #tpu.memory_space<vmem>> -> memref<64xi32, #tpu.memory_space<vmem>>
    %dma_start3A_29 = arith.constant 0 : i32
    %dma_start3A_30 = arith.constant 0 : i32
    %dma_start3A_31 = tpu.memref_slice %arg3[%dma_start3A_29, %dma_start3A_30] : memref<100000x128xf32, #tpu.memory_space<hbm>> -> memref<100000x128xf32, #tpu.memory_space<hbm>>
    tpu.enqueue_indirect_dma source(%dma_start3A_31 : memref<100000x128xf32, #tpu.memory_space<hbm>>) target(%dma_start3A_26 : memref<64x128xf32, #tpu.memory_space<vmem>>) offsets(%dma_start3A_28 : memref<64xi32, #tpu.memory_space<vmem>>) semaphore(%arg10 : memref<!tpu.dma_semaphore, #tpu.memory_space<semaphore_mem>>)
    %dma_start3A_32 = arith.constant 3 : i32
    %dma_start3A_33 = arith.constant 0 : i32
    %dma_start3A_34 = arith.constant 0 : i32
    %dma_start3A_35 = tpu.memref_slice %arg6[%dma_start3A_32, %dma_start3A_33, %dma_start3A_34] : memref<8x64x128xf32, #tpu.memory_space<vmem>> -> memref<1x64x128xf32, #tpu.memory_space<vmem>>
    %dma_start3A_36 = tpu.memref_squeeze %dma_start3A_35 : memref<1x64x128xf32, #tpu.memory_space<vmem>> -> memref<64x128xf32, #tpu.memory_space<vmem>>
    %dma_start3A_37 = arith.constant 192 : i32
    %dma_start3A_38 = tpu.memref_slice %arg5[%dma_start3A_37] : memref<25600xi32, #tpu.memory_space<vmem>> -> memref<64xi32, #tpu.memory_space<vmem>>
    %dma_start3A_39 = arith.constant 0 : i32
    %dma_start3A_40 = arith.constant 0 : i32
    %dma_start3A_41 = tpu.memref_slice %arg3[%dma_start3A_39, %dma_start3A_40] : memref<100000x128xf32, #tpu.memory_space<hbm>> -> memref<100000x128xf32, #tpu.memory_space<hbm>>
    tpu.enqueue_indirect_dma source(%dma_start3A_41 : memref<100000x128xf32, #tpu.memory_space<hbm>>) target(%dma_start3A_36 : memref<64x128xf32, #tpu.memory_space<vmem>>) offsets(%dma_start3A_38 : memref<64xi32, #tpu.memory_space<vmem>>) semaphore(%arg11 : memref<!tpu.dma_semaphore, #tpu.memory_space<semaphore_mem>>)
    %dma_start3A_42 = arith.constant 4 : i32
    %dma_start3A_43 = arith.constant 0 : i32
    %dma_start3A_44 = arith.constant 0 : i32
    %dma_start3A_45 = tpu.memref_slice %arg6[%dma_start3A_42, %dma_start3A_43, %dma_start3A_44] : memref<8x64x128xf32, #tpu.memory_space<vmem>> -> memref<1x64x128xf32, #tpu.memory_space<vmem>>
    %dma_start3A_46 = tpu.memref_squeeze %dma_start3A_45 : memref<1x64x128xf32, #tpu.memory_space<vmem>> -> memref<64x128xf32, #tpu.memory_space<vmem>>
    %dma_start3A_47 = arith.constant 256 : i32
    %dma_start3A_48 = tpu.memref_slice %arg5[%dma_start3A_47] : memref<25600xi32, #tpu.memory_space<vmem>> -> memref<64xi32, #tpu.memory_space<vmem>>
    %dma_start3A_49 = arith.constant 0 : i32
    %dma_start3A_50 = arith.constant 0 : i32
    %dma_start3A_51 = tpu.memref_slice %arg3[%dma_start3A_49, %dma_start3A_50] : memref<100000x128xf32, #tpu.memory_space<hbm>> -> memref<100000x128xf32, #tpu.memory_space<hbm>>
    tpu.enqueue_indirect_dma source(%dma_start3A_51 : memref<100000x128xf32, #tpu.memory_space<hbm>>) target(%dma_start3A_46 : memref<64x128xf32, #tpu.memory_space<vmem>>) offsets(%dma_start3A_48 : memref<64xi32, #tpu.memory_space<vmem>>) semaphore(%arg12 : memref<!tpu.dma_semaphore, #tpu.memory_space<semaphore_mem>>)
    %dma_start3A_52 = arith.constant 5 : i32
    %dma_start3A_53 = arith.constant 0 : i32
    %dma_start3A_54 = arith.constant 0 : i32
    %dma_start3A_55 = tpu.memref_slice %arg6[%dma_start3A_52, %dma_start3A_53, %dma_start3A_54] : memref<8x64x128xf32, #tpu.memory_space<vmem>> -> memref<1x64x128xf32, #tpu.memory_space<vmem>>
    %dma_start3A_56 = tpu.memref_squeeze %dma_start3A_55 : memref<1x64x128xf32, #tpu.memory_space<vmem>> -> memref<64x128xf32, #tpu.memory_space<vmem>>
    %dma_start3A_57 = arith.constant 320 : i32
    %dma_start3A_58 = tpu.memref_slice %arg5[%dma_start3A_57] : memref<25600xi32, #tpu.memory_space<vmem>> -> memref<64xi32, #tpu.memory_space<vmem>>
    %dma_start3A_59 = arith.constant 0 : i32
    %dma_start3A_60 = arith.constant 0 : i32
    %dma_start3A_61 = tpu.memref_slice %arg3[%dma_start3A_59, %dma_start3A_60] : memref<100000x128xf32, #tpu.memory_space<hbm>> -> memref<100000x128xf32, #tpu.memory_space<hbm>>
    tpu.enqueue_indirect_dma source(%dma_start3A_61 : memref<100000x128xf32, #tpu.memory_space<hbm>>) target(%dma_start3A_56 : memref<64x128xf32, #tpu.memory_space<vmem>>) offsets(%dma_start3A_58 : memref<64xi32, #tpu.memory_space<vmem>>) semaphore(%arg13 : memref<!tpu.dma_semaphore, #tpu.memory_space<semaphore_mem>>)
    %dma_start3A_62 = arith.constant 6 : i32
    %dma_start3A_63 = arith.constant 0 : i32
    %dma_start3A_64 = arith.constant 0 : i32
    %dma_start3A_65 = tpu.memref_slice %arg6[%dma_start3A_62, %dma_start3A_63, %dma_start3A_64] : memref<8x64x128xf32, #tpu.memory_space<vmem>> -> memref<1x64x128xf32, #tpu.memory_space<vmem>>
    %dma_start3A_66 = tpu.memref_squeeze %dma_start3A_65 : memref<1x64x128xf32, #tpu.memory_space<vmem>> -> memref<64x128xf32, #tpu.memory_space<vmem>>
    %dma_start3A_67 = arith.constant 384 : i32
    %dma_start3A_68 = tpu.memref_slice %arg5[%dma_start3A_67] : memref<25600xi32, #tpu.memory_space<vmem>> -> memref<64xi32, #tpu.memory_space<vmem>>
    %dma_start3A_69 = arith.constant 0 : i32
    %dma_start3A_70 = arith.constant 0 : i32
    %dma_start3A_71 = tpu.memref_slice %arg3[%dma_start3A_69, %dma_start3A_70] : memref<100000x128xf32, #tpu.memory_space<hbm>> -> memref<100000x128xf32, #tpu.memory_space<hbm>>
    tpu.enqueue_indirect_dma source(%dma_start3A_71 : memref<100000x128xf32, #tpu.memory_space<hbm>>) target(%dma_start3A_66 : memref<64x128xf32, #tpu.memory_space<vmem>>) offsets(%dma_start3A_68 : memref<64xi32, #tpu.memory_space<vmem>>) semaphore(%arg14 : memref<!tpu.dma_semaphore, #tpu.memory_space<semaphore_mem>>)
    %scan3A = arith.constant 0 : i32
    %scan3A_72 = arith.constant 50 : i32
    %scan3A_73 = arith.addi %scan3A, %scan3A_72 : i32
    %scan3A_74 = arith.constant 1 : i32
    scf.for %scan3A_130 = %scan3A to %scan3A_73 step %scan3A_74  : i32 {
      %mul3A_131 = arith.constant 8 : i32
      %mul3A_132 = arith.muli %scan3A_130, %mul3A_131 : i32
      %add3A_133 = arith.constant 0 : i32
      %add3A_134 = arith.addi %add3A_133, %mul3A_132 : i32
      %add3A_135 = arith.constant 0 : i32
      %add3A_136 = arith.addi %add3A_134, %add3A_135 : i32
      %dma_wait3A_137 = arith.constant 0 : i32
      %dma_wait3A_138 = arith.constant 0 : i32
      %dma_wait3A_139 = arith.constant 0 : i32
      %dma_wait3A_140 = tpu.memref_slice %arg6[%dma_wait3A_137, %dma_wait3A_138, %dma_wait3A_139] : memref<8x64x128xf32, #tpu.memory_space<vmem>> -> memref<1x64x128xf32, #tpu.memory_space<vmem>>
      %dma_wait3A_141 = tpu.memref_squeeze %dma_wait3A_140 : memref<1x64x128xf32, #tpu.memory_space<vmem>> -> memref<64x128xf32, #tpu.memory_space<vmem>>
      %dma_wait3A_142 = arith.constant 0 : i32
      %dma_wait3A_143 = tpu.memref_slice %arg5[%dma_wait3A_142] : memref<25600xi32, #tpu.memory_space<vmem>> -> memref<64xi32, #tpu.memory_space<vmem>>
      %dma_wait3A_144 = arith.constant 0 : i32
      %dma_wait3A_145 = arith.constant 0 : i32
      %dma_wait3A_146 = tpu.memref_slice %arg3[%dma_wait3A_144, %dma_wait3A_145] : memref<100000x128xf32, #tpu.memory_space<hbm>> -> memref<100000x128xf32, #tpu.memory_space<hbm>>
      tpu.wait_indirect_dma semaphore(%arg8 : memref<!tpu.dma_semaphore, #tpu.memory_space<semaphore_mem>>) src(%dma_wait3A_146 : memref<100000x128xf32, #tpu.memory_space<hbm>>) dst(%dma_wait3A_141 : memref<64x128xf32, #tpu.memory_space<vmem>>)
      %ge3A = arith.constant 4 : i32
      %ge3A_147 = arith.cmpi sge, %add3A_136, %ge3A : i32
      %convert_element_type3A = arith.extui %ge3A_147 : i1 to i32
      %cond3A = arith.constant 0 : i32
      %cond3A_148 = arith.cmpi ne, %convert_element_type3A, %cond3A : i32
      scf.if %cond3A_148 {
        %dma_wait3A_522 = arith.constant 0 : i32
        %dma_wait3A_523 = arith.constant 0 : i32
        %dma_wait3A_524 = tpu.memref_slice %arg4[%mul3A_2, %dma_wait3A_523] : memref<819200x128xf32, #tpu.memory_space<hbm>> -> memref<64x128xf32, #tpu.memory_space<hbm>>
        %dma_wait3A_525 = arith.constant 0 : i32
        %dma_wait3A_526 = arith.constant 0 : i32
        %dma_wait3A_527 = tpu.memref_slice %arg7[%arg1, %dma_wait3A_522, %dma_wait3A_525, %dma_wait3A_526] : memref<16x4x64x128xf32, #tpu.memory_space<vmem_shared>> -> memref<1x1x64x128xf32, #tpu.memory_space<vmem_shared>>
        %dma_wait3A_528 = tpu.memref_squeeze %dma_wait3A_527 : memref<1x1x64x128xf32, #tpu.memory_space<vmem_shared>> -> memref<64x128xf32, #tpu.memory_space<vmem_shared>>
        tpu.wait_dma2 semaphore(%arg24 : memref<!tpu.dma_semaphore, #tpu.memory_space<semaphore_mem>>) src(%dma_wait3A_528 : memref<64x128xf32, #tpu.memory_space<vmem_shared>>) dst(%dma_wait3A_524 : memref<64x128xf32, #tpu.memory_space<hbm>>)
      } else {
      }
      %dma_start3A_149 = arith.constant 0 : i32
      %dma_start3A_150 = arith.constant 0 : i32
      %dma_start3A_151 = arith.constant 0 : i32
      %dma_start3A_152 = arith.constant 0 : i32
      %dma_start3A_153 = tpu.memref_slice %arg6[%dma_start3A_149, %dma_start3A_151, %dma_start3A_152] : memref<8x64x128xf32, #tpu.memory_space<vmem>> -> memref<1x64x128xf32, #tpu.memory_space<vmem>>
      %dma_start3A_154 = tpu.memref_squeeze %dma_start3A_153 : memref<1x64x128xf32, #tpu.memory_space<vmem>> -> memref<64x128xf32, #tpu.memory_space<vmem>>
      %dma_start3A_155 = arith.constant 0 : i32
      %dma_start3A_156 = arith.constant 0 : i32
      %dma_start3A_157 = tpu.memref_slice %arg7[%arg1, %dma_start3A_150, %dma_start3A_155, %dma_start3A_156] : memref<16x4x64x128xf32, #tpu.memory_space<vmem_shared>> -> memref<1x1x64x128xf32, #tpu.memory_space<vmem_shared>>
      %dma_start3A_158 = tpu.memref_squeeze %dma_start3A_157 : memref<1x1x64x128xf32, #tpu.memory_space<vmem_shared>> -> memref<64x128xf32, #tpu.memory_space<vmem_shared>>
      %dma_start3A_159 = arith.constant 0 : i32
      %dma_start3A_160 = arith.constant 0 : i32
      %dma_start3A_161 = tpu.memref_slice %arg7[%arg1, %dma_start3A_150, %dma_start3A_159, %dma_start3A_160] : memref<16x4x64x128xf32, #tpu.memory_space<vmem_shared>> -> memref<1x1x64x128xf32, #tpu.memory_space<vmem_shared>>
      %dma_start3A_162 = tpu.memref_squeeze %dma_start3A_161 : memref<1x1x64x128xf32, #tpu.memory_space<vmem_shared>> -> memref<64x128xf32, #tpu.memory_space<vmem_shared>>
      %dma_start3A_163 = arith.constant 0 : i32
      %dma_start3A_164 = arith.constant 0 : i32
      %dma_start3A_165 = tpu.memref_slice %arg6[%dma_start3A_149, %dma_start3A_163, %dma_start3A_164] : memref<8x64x128xf32, #tpu.memory_space<vmem>> -> memref<1x64x128xf32, #tpu.memory_space<vmem>>
      %dma_start3A_166 = tpu.memref_squeeze %dma_start3A_165 : memref<1x64x128xf32, #tpu.memory_space<vmem>> -> memref<64x128xf32, #tpu.memory_space<vmem>>
      tpu.enqueue_dma source(%dma_start3A_166 : memref<64x128xf32, #tpu.memory_space<vmem>>) target(%dma_start3A_162 : memref<64x128xf32, #tpu.memory_space<vmem_shared>>) target_semaphore(%arg16 : memref<!tpu.dma_semaphore, #tpu.memory_space<semaphore_mem>>)
      %add3A_167 = arith.constant 8 : i32
      %add3A_168 = arith.addi %add3A_136, %add3A_167 : i32
      %sub3A = arith.constant 1 : i32
      %sub3A_169 = arith.subi %add3A_168, %sub3A : i32
      %ge3A_170 = arith.constant 1 : i32
      %ge3A_171 = arith.cmpi sge, %add3A_136, %ge3A_170 : i32
      %convert_element_type3A_172 = arith.extui %ge3A_171 : i1 to i32
      %cond3A_173 = arith.constant 0 : i32
      %cond3A_174 = arith.cmpi ne, %convert_element_type3A_172, %cond3A_173 : i32
      scf.if %cond3A_174 {
        %dma_wait3A_522 = arith.constant 7 : i32
        %dma_wait3A_523 = arith.constant 3 : i32
        %dma_wait3A_524 = arith.constant 0 : i32
        %dma_wait3A_525 = arith.constant 0 : i32
        %dma_wait3A_526 = tpu.memref_slice %arg6[%dma_wait3A_522, %dma_wait3A_524, %dma_wait3A_525] : memref<8x64x128xf32, #tpu.memory_space<vmem>> -> memref<1x64x128xf32, #tpu.memory_space<vmem>>
        %dma_wait3A_527 = tpu.memref_squeeze %dma_wait3A_526 : memref<1x64x128xf32, #tpu.memory_space<vmem>> -> memref<64x128xf32, #tpu.memory_space<vmem>>
        %dma_wait3A_528 = arith.constant 0 : i32
        %dma_wait3A_529 = arith.constant 0 : i32
        %dma_wait3A_530 = tpu.memref_slice %arg7[%arg1, %dma_wait3A_523, %dma_wait3A_528, %dma_wait3A_529] : memref<16x4x64x128xf32, #tpu.memory_space<vmem_shared>> -> memref<1x1x64x128xf32, #tpu.memory_space<vmem_shared>>
        %dma_wait3A_531 = tpu.memref_squeeze %dma_wait3A_530 : memref<1x1x64x128xf32, #tpu.memory_space<vmem_shared>> -> memref<64x128xf32, #tpu.memory_space<vmem_shared>>
        %dma_wait3A_532 = arith.constant 0 : i32
        %dma_wait3A_533 = arith.constant 0 : i32
        %dma_wait3A_534 = tpu.memref_slice %arg7[%arg1, %dma_wait3A_523, %dma_wait3A_532, %dma_wait3A_533] : memref<16x4x64x128xf32, #tpu.memory_space<vmem_shared>> -> memref<1x1x64x128xf32, #tpu.memory_space<vmem_shared>>
        %dma_wait3A_535 = tpu.memref_squeeze %dma_wait3A_534 : memref<1x1x64x128xf32, #tpu.memory_space<vmem_shared>> -> memref<64x128xf32, #tpu.memory_space<vmem_shared>>
        %dma_wait3A_536 = arith.constant 0 : i32
        %dma_wait3A_537 = arith.constant 0 : i32
        %dma_wait3A_538 = tpu.memref_slice %arg6[%dma_wait3A_522, %dma_wait3A_536, %dma_wait3A_537] : memref<8x64x128xf32, #tpu.memory_space<vmem>> -> memref<1x64x128xf32, #tpu.memory_space<vmem>>
        %dma_wait3A_539 = tpu.memref_squeeze %dma_wait3A_538 : memref<1x64x128xf32, #tpu.memory_space<vmem>> -> memref<64x128xf32, #tpu.memory_space<vmem>>
        tpu.wait_dma2 semaphore(%arg23 : memref<!tpu.dma_semaphore, #tpu.memory_space<semaphore_mem>>) src(%dma_wait3A_539 : memref<64x128xf32, #tpu.memory_space<vmem>>) dst(%dma_wait3A_535 : memref<64x128xf32, #tpu.memory_space<vmem_shared>>)
        %sub3A_540 = arith.constant 1 : i32
        %sub3A_541 = arith.subi %add3A_136, %sub3A_540 : i32
        %mul3A_542 = arith.constant 64 : i32
        %mul3A_543 = arith.muli %sub3A_541, %mul3A_542 : i32
        %add3A_544 = arith.addi %mul3A_2, %mul3A_543 : i32
        %dma_start3A_545 = arith.constant 3 : i32
        %dma_start3A_546 = arith.constant 0 : i32
        %dma_start3A_547 = tpu.memref_slice %arg4[%add3A_544, %dma_start3A_546] : memref<819200x128xf32, #tpu.memory_space<hbm>> -> memref<64x128xf32, #tpu.memory_space<hbm>>
        %dma_start3A_548 = arith.constant 0 : i32
        %dma_start3A_549 = arith.constant 0 : i32
        %dma_start3A_550 = tpu.memref_slice %arg7[%arg1, %dma_start3A_545, %dma_start3A_548, %dma_start3A_549] : memref<16x4x64x128xf32, #tpu.memory_space<vmem_shared>> -> memref<1x1x64x128xf32, #tpu.memory_space<vmem_shared>>
        %dma_start3A_551 = tpu.memref_squeeze %dma_start3A_550 : memref<1x1x64x128xf32, #tpu.memory_space<vmem_shared>> -> memref<64x128xf32, #tpu.memory_space<vmem_shared>>
        tpu.enqueue_dma source(%dma_start3A_551 : memref<64x128xf32, #tpu.memory_space<vmem_shared>>) target(%dma_start3A_547 : memref<64x128xf32, #tpu.memory_space<hbm>>) target_semaphore(%arg27 : memref<!tpu.dma_semaphore, #tpu.memory_space<semaphore_mem>>)
      } else {
      }
      %lt3A = arith.constant 400 : i32
      %lt3A_175 = arith.cmpi slt, %sub3A_169, %lt3A : i32
      %convert_element_type3A_176 = arith.extui %lt3A_175 : i1 to i32
      %cond3A_177 = arith.constant 0 : i32
      %cond3A_178 = arith.cmpi ne, %convert_element_type3A_176, %cond3A_177 : i32
      scf.if %cond3A_178 {
        %mul3A_522 = arith.constant 64 : i32
        %mul3A_523 = arith.muli %sub3A_169, %mul3A_522 : i32
        %dma_start3A_524 = arith.constant 7 : i32
        %dma_start3A_525 = arith.constant 0 : i32
        %dma_start3A_526 = arith.constant 0 : i32
        %dma_start3A_527 = tpu.memref_slice %arg6[%dma_start3A_524, %dma_start3A_525, %dma_start3A_526] : memref<8x64x128xf32, #tpu.memory_space<vmem>> -> memref<1x64x128xf32, #tpu.memory_space<vmem>>
        %dma_start3A_528 = tpu.memref_squeeze %dma_start3A_527 : memref<1x64x128xf32, #tpu.memory_space<vmem>> -> memref<64x128xf32, #tpu.memory_space<vmem>>
        %dma_start3A_529 = tpu.memref_slice %arg5[%mul3A_523] : memref<25600xi32, #tpu.memory_space<vmem>> -> memref<64xi32, #tpu.memory_space<vmem>>
        %dma_start3A_530 = arith.constant 0 : i32
        %dma_start3A_531 = arith.constant 0 : i32
        %dma_start3A_532 = tpu.memref_slice %arg3[%dma_start3A_530, %dma_start3A_531] : memref<100000x128xf32, #tpu.memory_space<hbm>> -> memref<100000x128xf32, #tpu.memory_space<hbm>>
        tpu.enqueue_indirect_dma source(%dma_start3A_532 : memref<100000x128xf32, #tpu.memory_space<hbm>>) target(%dma_start3A_528 : memref<64x128xf32, #tpu.memory_space<vmem>>) offsets(%dma_start3A_529 : memref<64xi32, #tpu.memory_space<vmem>>) semaphore(%arg15 : memref<!tpu.dma_semaphore, #tpu.memory_space<semaphore_mem>>)
      } else {
      }
      %add3A_179 = arith.constant 1 : i32
      %add3A_180 = arith.addi %add3A_134, %add3A_179 : i32
      %dma_wait3A_181 = arith.constant 1 : i32
      %dma_wait3A_182 = arith.constant 0 : i32
      %dma_wait3A_183 = arith.constant 0 : i32
      %dma_wait3A_184 = tpu.memref_slice %arg6[%dma_wait3A_181, %dma_wait3A_182, %dma_wait3A_183] : memref<8x64x128xf32, #tpu.memory_space<vmem>> -> memref<1x64x128xf32, #tpu.memory_space<vmem>>
      %dma_wait3A_185 = tpu.memref_squeeze %dma_wait3A_184 : memref<1x64x128xf32, #tpu.memory_space<vmem>> -> memref<64x128xf32, #tpu.memory_space<vmem>>
      %dma_wait3A_186 = arith.constant 0 : i32
      %dma_wait3A_187 = tpu.memref_slice %arg5[%dma_wait3A_186] : memref<25600xi32, #tpu.memory_space<vmem>> -> memref<64xi32, #tpu.memory_space<vmem>>
      %dma_wait3A_188 = arith.constant 0 : i32
      %dma_wait3A_189 = arith.constant 0 : i32
      %dma_wait3A_190 = tpu.memref_slice %arg3[%dma_wait3A_188, %dma_wait3A_189] : memref<100000x128xf32, #tpu.memory_space<hbm>> -> memref<100000x128xf32, #tpu.memory_space<hbm>>
      tpu.wait_indirect_dma semaphore(%arg9 : memref<!tpu.dma_semaphore, #tpu.memory_space<semaphore_mem>>) src(%dma_wait3A_190 : memref<100000x128xf32, #tpu.memory_space<hbm>>) dst(%dma_wait3A_185 : memref<64x128xf32, #tpu.memory_space<vmem>>)
      %ge3A_191 = arith.constant 4 : i32
      %ge3A_192 = arith.cmpi sge, %add3A_180, %ge3A_191 : i32
      %convert_element_type3A_193 = arith.extui %ge3A_192 : i1 to i32
      %cond3A_194 = arith.constant 0 : i32
      %cond3A_195 = arith.cmpi ne, %convert_element_type3A_193, %cond3A_194 : i32
      scf.if %cond3A_195 {
        %dma_wait3A_522 = arith.constant 1 : i32
        %dma_wait3A_523 = arith.constant 0 : i32
        %dma_wait3A_524 = tpu.memref_slice %arg4[%mul3A_2, %dma_wait3A_523] : memref<819200x128xf32, #tpu.memory_space<hbm>> -> memref<64x128xf32, #tpu.memory_space<hbm>>
        %dma_wait3A_525 = arith.constant 0 : i32
        %dma_wait3A_526 = arith.constant 0 : i32
        %dma_wait3A_527 = tpu.memref_slice %arg7[%arg1, %dma_wait3A_522, %dma_wait3A_525, %dma_wait3A_526] : memref<16x4x64x128xf32, #tpu.memory_space<vmem_shared>> -> memref<1x1x64x128xf32, #tpu.memory_space<vmem_shared>>
        %dma_wait3A_528 = tpu.memref_squeeze %dma_wait3A_527 : memref<1x1x64x128xf32, #tpu.memory_space<vmem_shared>> -> memref<64x128xf32, #tpu.memory_space<vmem_shared>>
        tpu.wait_dma2 semaphore(%arg25 : memref<!tpu.dma_semaphore, #tpu.memory_space<semaphore_mem>>) src(%dma_wait3A_528 : memref<64x128xf32, #tpu.memory_space<vmem_shared>>) dst(%dma_wait3A_524 : memref<64x128xf32, #tpu.memory_space<hbm>>)
      } else {
      }
      %dma_start3A_196 = arith.constant 1 : i32
      %dma_start3A_197 = arith.constant 1 : i32
      %dma_start3A_198 = arith.constant 0 : i32
      %dma_start3A_199 = arith.constant 0 : i32
      %dma_start3A_200 = tpu.memref_slice %arg6[%dma_start3A_196, %dma_start3A_198, %dma_start3A_199] : memref<8x64x128xf32, #tpu.memory_space<vmem>> -> memref<1x64x128xf32, #tpu.memory_space<vmem>>
      %dma_start3A_201 = tpu.memref_squeeze %dma_start3A_200 : memref<1x64x128xf32, #tpu.memory_space<vmem>> -> memref<64x128xf32, #tpu.memory_space<vmem>>
      %dma_start3A_202 = arith.constant 0 : i32
      %dma_start3A_203 = arith.constant 0 : i32
      %dma_start3A_204 = tpu.memref_slice %arg7[%arg1, %dma_start3A_197, %dma_start3A_202, %dma_start3A_203] : memref<16x4x64x128xf32, #tpu.memory_space<vmem_shared>> -> memref<1x1x64x128xf32, #tpu.memory_space<vmem_shared>>
      %dma_start3A_205 = tpu.memref_squeeze %dma_start3A_204 : memref<1x1x64x128xf32, #tpu.memory_space<vmem_shared>> -> memref<64x128xf32, #tpu.memory_space<vmem_shared>>
      %dma_start3A_206 = arith.constant 0 : i32
      %dma_start3A_207 = arith.constant 0 : i32
      %dma_start3A_208 = tpu.memref_slice %arg7[%arg1, %dma_start3A_197, %dma_start3A_206, %dma_start3A_207] : memref<16x4x64x128xf32, #tpu.memory_space<vmem_shared>> -> memref<1x1x64x128xf32, #tpu.memory_space<vmem_shared>>
      %dma_start3A_209 = tpu.memref_squeeze %dma_start3A_208 : memref<1x1x64x128xf32, #tpu.memory_space<vmem_shared>> -> memref<64x128xf32, #tpu.memory_space<vmem_shared>>
      %dma_start3A_210 = arith.constant 0 : i32
      %dma_start3A_211 = arith.constant 0 : i32
      %dma_start3A_212 = tpu.memref_slice %arg6[%dma_start3A_196, %dma_start3A_210, %dma_start3A_211] : memref<8x64x128xf32, #tpu.memory_space<vmem>> -> memref<1x64x128xf32, #tpu.memory_space<vmem>>
      %dma_start3A_213 = tpu.memref_squeeze %dma_start3A_212 : memref<1x64x128xf32, #tpu.memory_space<vmem>> -> memref<64x128xf32, #tpu.memory_space<vmem>>
      tpu.enqueue_dma source(%dma_start3A_213 : memref<64x128xf32, #tpu.memory_space<vmem>>) target(%dma_start3A_209 : memref<64x128xf32, #tpu.memory_space<vmem_shared>>) target_semaphore(%arg17 : memref<!tpu.dma_semaphore, #tpu.memory_space<semaphore_mem>>)
      %add3A_214 = arith.constant 8 : i32
      %add3A_215 = arith.addi %add3A_180, %add3A_214 : i32
      %sub3A_216 = arith.constant 1 : i32
      %sub3A_217 = arith.subi %add3A_215, %sub3A_216 : i32
      %ge3A_218 = arith.constant 1 : i32
      %ge3A_219 = arith.cmpi sge, %add3A_180, %ge3A_218 : i32
      %convert_element_type3A_220 = arith.extui %ge3A_219 : i1 to i32
      %cond3A_221 = arith.constant 0 : i32
      %cond3A_222 = arith.cmpi ne, %convert_element_type3A_220, %cond3A_221 : i32
      scf.if %cond3A_222 {
        %dma_wait3A_522 = arith.constant 0 : i32
        %dma_wait3A_523 = arith.constant 0 : i32
        %dma_wait3A_524 = arith.constant 0 : i32
        %dma_wait3A_525 = arith.constant 0 : i32
        %dma_wait3A_526 = tpu.memref_slice %arg6[%dma_wait3A_522, %dma_wait3A_524, %dma_wait3A_525] : memref<8x64x128xf32, #tpu.memory_space<vmem>> -> memref<1x64x128xf32, #tpu.memory_space<vmem>>
        %dma_wait3A_527 = tpu.memref_squeeze %dma_wait3A_526 : memref<1x64x128xf32, #tpu.memory_space<vmem>> -> memref<64x128xf32, #tpu.memory_space<vmem>>
        %dma_wait3A_528 = arith.constant 0 : i32
        %dma_wait3A_529 = arith.constant 0 : i32
        %dma_wait3A_530 = tpu.memref_slice %arg7[%arg1, %dma_wait3A_523, %dma_wait3A_528, %dma_wait3A_529] : memref<16x4x64x128xf32, #tpu.memory_space<vmem_shared>> -> memref<1x1x64x128xf32, #tpu.memory_space<vmem_shared>>
        %dma_wait3A_531 = tpu.memref_squeeze %dma_wait3A_530 : memref<1x1x64x128xf32, #tpu.memory_space<vmem_shared>> -> memref<64x128xf32, #tpu.memory_space<vmem_shared>>
        %dma_wait3A_532 = arith.constant 0 : i32
        %dma_wait3A_533 = arith.constant 0 : i32
        %dma_wait3A_534 = tpu.memref_slice %arg7[%arg1, %dma_wait3A_523, %dma_wait3A_532, %dma_wait3A_533] : memref<16x4x64x128xf32, #tpu.memory_space<vmem_shared>> -> memref<1x1x64x128xf32, #tpu.memory_space<vmem_shared>>
        %dma_wait3A_535 = tpu.memref_squeeze %dma_wait3A_534 : memref<1x1x64x128xf32, #tpu.memory_space<vmem_shared>> -> memref<64x128xf32, #tpu.memory_space<vmem_shared>>
        %dma_wait3A_536 = arith.constant 0 : i32
        %dma_wait3A_537 = arith.constant 0 : i32
        %dma_wait3A_538 = tpu.memref_slice %arg6[%dma_wait3A_522, %dma_wait3A_536, %dma_wait3A_537] : memref<8x64x128xf32, #tpu.memory_space<vmem>> -> memref<1x64x128xf32, #tpu.memory_space<vmem>>
        %dma_wait3A_539 = tpu.memref_squeeze %dma_wait3A_538 : memref<1x64x128xf32, #tpu.memory_space<vmem>> -> memref<64x128xf32, #tpu.memory_space<vmem>>
        tpu.wait_dma2 semaphore(%arg16 : memref<!tpu.dma_semaphore, #tpu.memory_space<semaphore_mem>>) src(%dma_wait3A_539 : memref<64x128xf32, #tpu.memory_space<vmem>>) dst(%dma_wait3A_535 : memref<64x128xf32, #tpu.memory_space<vmem_shared>>)
        %sub3A_540 = arith.constant 1 : i32
        %sub3A_541 = arith.subi %add3A_180, %sub3A_540 : i32
        %mul3A_542 = arith.constant 64 : i32
        %mul3A_543 = arith.muli %sub3A_541, %mul3A_542 : i32
        %add3A_544 = arith.addi %mul3A_2, %mul3A_543 : i32
        %dma_start3A_545 = arith.constant 0 : i32
        %dma_start3A_546 = arith.constant 0 : i32
        %dma_start3A_547 = tpu.memref_slice %arg4[%add3A_544, %dma_start3A_546] : memref<819200x128xf32, #tpu.memory_space<hbm>> -> memref<64x128xf32, #tpu.memory_space<hbm>>
        %dma_start3A_548 = arith.constant 0 : i32
        %dma_start3A_549 = arith.constant 0 : i32
        %dma_start3A_550 = tpu.memref_slice %arg7[%arg1, %dma_start3A_545, %dma_start3A_548, %dma_start3A_549] : memref<16x4x64x128xf32, #tpu.memory_space<vmem_shared>> -> memref<1x1x64x128xf32, #tpu.memory_space<vmem_shared>>
        %dma_start3A_551 = tpu.memref_squeeze %dma_start3A_550 : memref<1x1x64x128xf32, #tpu.memory_space<vmem_shared>> -> memref<64x128xf32, #tpu.memory_space<vmem_shared>>
        tpu.enqueue_dma source(%dma_start3A_551 : memref<64x128xf32, #tpu.memory_space<vmem_shared>>) target(%dma_start3A_547 : memref<64x128xf32, #tpu.memory_space<hbm>>) target_semaphore(%arg24 : memref<!tpu.dma_semaphore, #tpu.memory_space<semaphore_mem>>)
      } else {
      }
      %lt3A_223 = arith.constant 400 : i32
      %lt3A_224 = arith.cmpi slt, %sub3A_217, %lt3A_223 : i32
      %convert_element_type3A_225 = arith.extui %lt3A_224 : i1 to i32
      %cond3A_226 = arith.constant 0 : i32
      %cond3A_227 = arith.cmpi ne, %convert_element_type3A_225, %cond3A_226 : i32
      scf.if %cond3A_227 {
        %mul3A_522 = arith.constant 64 : i32
        %mul3A_523 = arith.muli %sub3A_217, %mul3A_522 : i32
        %dma_start3A_524 = arith.constant 0 : i32
        %dma_start3A_525 = arith.constant 0 : i32
        %dma_start3A_526 = arith.constant 0 : i32
        %dma_start3A_527 = tpu.memref_slice %arg6[%dma_start3A_524, %dma_start3A_525, %dma_start3A_526] : memref<8x64x128xf32, #tpu.memory_space<vmem>> -> memref<1x64x128xf32, #tpu.memory_space<vmem>>
        %dma_start3A_528 = tpu.memref_squeeze %dma_start3A_527 : memref<1x64x128xf32, #tpu.memory_space<vmem>> -> memref<64x128xf32, #tpu.memory_space<vmem>>
        %dma_start3A_529 = tpu.memref_slice %arg5[%mul3A_523] : memref<25600xi32, #tpu.memory_space<vmem>> -> memref<64xi32, #tpu.memory_space<vmem>>
        %dma_start3A_530 = arith.constant 0 : i32
        %dma_start3A_531 = arith.constant 0 : i32
        %dma_start3A_532 = tpu.memref_slice %arg3[%dma_start3A_530, %dma_start3A_531] : memref<100000x128xf32, #tpu.memory_space<hbm>> -> memref<100000x128xf32, #tpu.memory_space<hbm>>
        tpu.enqueue_indirect_dma source(%dma_start3A_532 : memref<100000x128xf32, #tpu.memory_space<hbm>>) target(%dma_start3A_528 : memref<64x128xf32, #tpu.memory_space<vmem>>) offsets(%dma_start3A_529 : memref<64xi32, #tpu.memory_space<vmem>>) semaphore(%arg8 : memref<!tpu.dma_semaphore, #tpu.memory_space<semaphore_mem>>)
      } else {
      }
      %add3A_228 = arith.constant 2 : i32
      %add3A_229 = arith.addi %add3A_134, %add3A_228 : i32
      %dma_wait3A_230 = arith.constant 2 : i32
      %dma_wait3A_231 = arith.constant 0 : i32
      %dma_wait3A_232 = arith.constant 0 : i32
      %dma_wait3A_233 = tpu.memref_slice %arg6[%dma_wait3A_230, %dma_wait3A_231, %dma_wait3A_232] : memref<8x64x128xf32, #tpu.memory_space<vmem>> -> memref<1x64x128xf32, #tpu.memory_space<vmem>>
      %dma_wait3A_234 = tpu.memref_squeeze %dma_wait3A_233 : memref<1x64x128xf32, #tpu.memory_space<vmem>> -> memref<64x128xf32, #tpu.memory_space<vmem>>
      %dma_wait3A_235 = arith.constant 0 : i32
      %dma_wait3A_236 = tpu.memref_slice %arg5[%dma_wait3A_235] : memref<25600xi32, #tpu.memory_space<vmem>> -> memref<64xi32, #tpu.memory_space<vmem>>
      %dma_wait3A_237 = arith.constant 0 : i32
      %dma_wait3A_238 = arith.constant 0 : i32
      %dma_wait3A_239 = tpu.memref_slice %arg3[%dma_wait3A_237, %dma_wait3A_238] : memref<100000x128xf32, #tpu.memory_space<hbm>> -> memref<100000x128xf32, #tpu.memory_space<hbm>>
      tpu.wait_indirect_dma semaphore(%arg10 : memref<!tpu.dma_semaphore, #tpu.memory_space<semaphore_mem>>) src(%dma_wait3A_239 : memref<100000x128xf32, #tpu.memory_space<hbm>>) dst(%dma_wait3A_234 : memref<64x128xf32, #tpu.memory_space<vmem>>)
      %ge3A_240 = arith.constant 4 : i32
      %ge3A_241 = arith.cmpi sge, %add3A_229, %ge3A_240 : i32
      %convert_element_type3A_242 = arith.extui %ge3A_241 : i1 to i32
      %cond3A_243 = arith.constant 0 : i32
      %cond3A_244 = arith.cmpi ne, %convert_element_type3A_242, %cond3A_243 : i32
      scf.if %cond3A_244 {
        %dma_wait3A_522 = arith.constant 2 : i32
        %dma_wait3A_523 = arith.constant 0 : i32
        %dma_wait3A_524 = tpu.memref_slice %arg4[%mul3A_2, %dma_wait3A_523] : memref<819200x128xf32, #tpu.memory_space<hbm>> -> memref<64x128xf32, #tpu.memory_space<hbm>>
        %dma_wait3A_525 = arith.constant 0 : i32
        %dma_wait3A_526 = arith.constant 0 : i32
        %dma_wait3A_527 = tpu.memref_slice %arg7[%arg1, %dma_wait3A_522, %dma_wait3A_525, %dma_wait3A_526] : memref<16x4x64x128xf32, #tpu.memory_space<vmem_shared>> -> memref<1x1x64x128xf32, #tpu.memory_space<vmem_shared>>
        %dma_wait3A_528 = tpu.memref_squeeze %dma_wait3A_527 : memref<1x1x64x128xf32, #tpu.memory_space<vmem_shared>> -> memref<64x128xf32, #tpu.memory_space<vmem_shared>>
        tpu.wait_dma2 semaphore(%arg26 : memref<!tpu.dma_semaphore, #tpu.memory_space<semaphore_mem>>) src(%dma_wait3A_528 : memref<64x128xf32, #tpu.memory_space<vmem_shared>>) dst(%dma_wait3A_524 : memref<64x128xf32, #tpu.memory_space<hbm>>)
      } else {
      }
      %dma_start3A_245 = arith.constant 2 : i32
      %dma_start3A_246 = arith.constant 2 : i32
      %dma_start3A_247 = arith.constant 0 : i32
      %dma_start3A_248 = arith.constant 0 : i32
      %dma_start3A_249 = tpu.memref_slice %arg6[%dma_start3A_245, %dma_start3A_247, %dma_start3A_248] : memref<8x64x128xf32, #tpu.memory_space<vmem>> -> memref<1x64x128xf32, #tpu.memory_space<vmem>>
      %dma_start3A_250 = tpu.memref_squeeze %dma_start3A_249 : memref<1x64x128xf32, #tpu.memory_space<vmem>> -> memref<64x128xf32, #tpu.memory_space<vmem>>
      %dma_start3A_251 = arith.constant 0 : i32
      %dma_start3A_252 = arith.constant 0 : i32
      %dma_start3A_253 = tpu.memref_slice %arg7[%arg1, %dma_start3A_246, %dma_start3A_251, %dma_start3A_252] : memref<16x4x64x128xf32, #tpu.memory_space<vmem_shared>> -> memref<1x1x64x128xf32, #tpu.memory_space<vmem_shared>>
      %dma_start3A_254 = tpu.memref_squeeze %dma_start3A_253 : memref<1x1x64x128xf32, #tpu.memory_space<vmem_shared>> -> memref<64x128xf32, #tpu.memory_space<vmem_shared>>
      %dma_start3A_255 = arith.constant 0 : i32
      %dma_start3A_256 = arith.constant 0 : i32
      %dma_start3A_257 = tpu.memref_slice %arg7[%arg1, %dma_start3A_246, %dma_start3A_255, %dma_start3A_256] : memref<16x4x64x128xf32, #tpu.memory_space<vmem_shared>> -> memref<1x1x64x128xf32, #tpu.memory_space<vmem_shared>>
      %dma_start3A_258 = tpu.memref_squeeze %dma_start3A_257 : memref<1x1x64x128xf32, #tpu.memory_space<vmem_shared>> -> memref<64x128xf32, #tpu.memory_space<vmem_shared>>
      %dma_start3A_259 = arith.constant 0 : i32
      %dma_start3A_260 = arith.constant 0 : i32
      %dma_start3A_261 = tpu.memref_slice %arg6[%dma_start3A_245, %dma_start3A_259, %dma_start3A_260] : memref<8x64x128xf32, #tpu.memory_space<vmem>> -> memref<1x64x128xf32, #tpu.memory_space<vmem>>
      %dma_start3A_262 = tpu.memref_squeeze %dma_start3A_261 : memref<1x64x128xf32, #tpu.memory_space<vmem>> -> memref<64x128xf32, #tpu.memory_space<vmem>>
      tpu.enqueue_dma source(%dma_start3A_262 : memref<64x128xf32, #tpu.memory_space<vmem>>) target(%dma_start3A_258 : memref<64x128xf32, #tpu.memory_space<vmem_shared>>) target_semaphore(%arg18 : memref<!tpu.dma_semaphore, #tpu.memory_space<semaphore_mem>>)
      %add3A_263 = arith.constant 8 : i32
      %add3A_264 = arith.addi %add3A_229, %add3A_263 : i32
      %sub3A_265 = arith.constant 1 : i32
      %sub3A_266 = arith.subi %add3A_264, %sub3A_265 : i32
      %ge3A_267 = arith.constant 1 : i32
      %ge3A_268 = arith.cmpi sge, %add3A_229, %ge3A_267 : i32
      %convert_element_type3A_269 = arith.extui %ge3A_268 : i1 to i32
      %cond3A_270 = arith.constant 0 : i32
      %cond3A_271 = arith.cmpi ne, %convert_element_type3A_269, %cond3A_270 : i32
      scf.if %cond3A_271 {
        %dma_wait3A_522 = arith.constant 1 : i32
        %dma_wait3A_523 = arith.constant 1 : i32
        %dma_wait3A_524 = arith.constant 0 : i32
        %dma_wait3A_525 = arith.constant 0 : i32
        %dma_wait3A_526 = tpu.memref_slice %arg6[%dma_wait3A_522, %dma_wait3A_524, %dma_wait3A_525] : memref<8x64x128xf32, #tpu.memory_space<vmem>> -> memref<1x64x128xf32, #tpu.memory_space<vmem>>
        %dma_wait3A_527 = tpu.memref_squeeze %dma_wait3A_526 : memref<1x64x128xf32, #tpu.memory_space<vmem>> -> memref<64x128xf32, #tpu.memory_space<vmem>>
        %dma_wait3A_528 = arith.constant 0 : i32
        %dma_wait3A_529 = arith.constant 0 : i32
        %dma_wait3A_530 = tpu.memref_slice %arg7[%arg1, %dma_wait3A_523, %dma_wait3A_528, %dma_wait3A_529] : memref<16x4x64x128xf32, #tpu.memory_space<vmem_shared>> -> memref<1x1x64x128xf32, #tpu.memory_space<vmem_shared>>
        %dma_wait3A_531 = tpu.memref_squeeze %dma_wait3A_530 : memref<1x1x64x128xf32, #tpu.memory_space<vmem_shared>> -> memref<64x128xf32, #tpu.memory_space<vmem_shared>>
        %dma_wait3A_532 = arith.constant 0 : i32
        %dma_wait3A_533 = arith.constant 0 : i32
        %dma_wait3A_534 = tpu.memref_slice %arg7[%arg1, %dma_wait3A_523, %dma_wait3A_532, %dma_wait3A_533] : memref<16x4x64x128xf32, #tpu.memory_space<vmem_shared>> -> memref<1x1x64x128xf32, #tpu.memory_space<vmem_shared>>
        %dma_wait3A_535 = tpu.memref_squeeze %dma_wait3A_534 : memref<1x1x64x128xf32, #tpu.memory_space<vmem_shared>> -> memref<64x128xf32, #tpu.memory_space<vmem_shared>>
        %dma_wait3A_536 = arith.constant 0 : i32
        %dma_wait3A_537 = arith.constant 0 : i32
        %dma_wait3A_538 = tpu.memref_slice %arg6[%dma_wait3A_522, %dma_wait3A_536, %dma_wait3A_537] : memref<8x64x128xf32, #tpu.memory_space<vmem>> -> memref<1x64x128xf32, #tpu.memory_space<vmem>>
        %dma_wait3A_539 = tpu.memref_squeeze %dma_wait3A_538 : memref<1x64x128xf32, #tpu.memory_space<vmem>> -> memref<64x128xf32, #tpu.memory_space<vmem>>
        tpu.wait_dma2 semaphore(%arg17 : memref<!tpu.dma_semaphore, #tpu.memory_space<semaphore_mem>>) src(%dma_wait3A_539 : memref<64x128xf32, #tpu.memory_space<vmem>>) dst(%dma_wait3A_535 : memref<64x128xf32, #tpu.memory_space<vmem_shared>>)
        %sub3A_540 = arith.constant 1 : i32
        %sub3A_541 = arith.subi %add3A_229, %sub3A_540 : i32
        %mul3A_542 = arith.constant 64 : i32
        %mul3A_543 = arith.muli %sub3A_541, %mul3A_542 : i32
        %add3A_544 = arith.addi %mul3A_2, %mul3A_543 : i32
        %dma_start3A_545 = arith.constant 1 : i32
        %dma_start3A_546 = arith.constant 0 : i32
        %dma_start3A_547 = tpu.memref_slice %arg4[%add3A_544, %dma_start3A_546] : memref<819200x128xf32, #tpu.memory_space<hbm>> -> memref<64x128xf32, #tpu.memory_space<hbm>>
        %dma_start3A_548 = arith.constant 0 : i32
        %dma_start3A_549 = arith.constant 0 : i32
        %dma_start3A_550 = tpu.memref_slice %arg7[%arg1, %dma_start3A_545, %dma_start3A_548, %dma_start3A_549] : memref<16x4x64x128xf32, #tpu.memory_space<vmem_shared>> -> memref<1x1x64x128xf32, #tpu.memory_space<vmem_shared>>
        %dma_start3A_551 = tpu.memref_squeeze %dma_start3A_550 : memref<1x1x64x128xf32, #tpu.memory_space<vmem_shared>> -> memref<64x128xf32, #tpu.memory_space<vmem_shared>>
        tpu.enqueue_dma source(%dma_start3A_551 : memref<64x128xf32, #tpu.memory_space<vmem_shared>>) target(%dma_start3A_547 : memref<64x128xf32, #tpu.memory_space<hbm>>) target_semaphore(%arg25 : memref<!tpu.dma_semaphore, #tpu.memory_space<semaphore_mem>>)
      } else {
      }
      %lt3A_272 = arith.constant 400 : i32
      %lt3A_273 = arith.cmpi slt, %sub3A_266, %lt3A_272 : i32
      %convert_element_type3A_274 = arith.extui %lt3A_273 : i1 to i32
      %cond3A_275 = arith.constant 0 : i32
      %cond3A_276 = arith.cmpi ne, %convert_element_type3A_274, %cond3A_275 : i32
      scf.if %cond3A_276 {
        %mul3A_522 = arith.constant 64 : i32
        %mul3A_523 = arith.muli %sub3A_266, %mul3A_522 : i32
        %dma_start3A_524 = arith.constant 1 : i32
        %dma_start3A_525 = arith.constant 0 : i32
        %dma_start3A_526 = arith.constant 0 : i32
        %dma_start3A_527 = tpu.memref_slice %arg6[%dma_start3A_524, %dma_start3A_525, %dma_start3A_526] : memref<8x64x128xf32, #tpu.memory_space<vmem>> -> memref<1x64x128xf32, #tpu.memory_space<vmem>>
        %dma_start3A_528 = tpu.memref_squeeze %dma_start3A_527 : memref<1x64x128xf32, #tpu.memory_space<vmem>> -> memref<64x128xf32, #tpu.memory_space<vmem>>
        %dma_start3A_529 = tpu.memref_slice %arg5[%mul3A_523] : memref<25600xi32, #tpu.memory_space<vmem>> -> memref<64xi32, #tpu.memory_space<vmem>>
        %dma_start3A_530 = arith.constant 0 : i32
        %dma_start3A_531 = arith.constant 0 : i32
        %dma_start3A_532 = tpu.memref_slice %arg3[%dma_start3A_530, %dma_start3A_531] : memref<100000x128xf32, #tpu.memory_space<hbm>> -> memref<100000x128xf32, #tpu.memory_space<hbm>>
        tpu.enqueue_indirect_dma source(%dma_start3A_532 : memref<100000x128xf32, #tpu.memory_space<hbm>>) target(%dma_start3A_528 : memref<64x128xf32, #tpu.memory_space<vmem>>) offsets(%dma_start3A_529 : memref<64xi32, #tpu.memory_space<vmem>>) semaphore(%arg9 : memref<!tpu.dma_semaphore, #tpu.memory_space<semaphore_mem>>)
      } else {
      }
      %add3A_277 = arith.constant 3 : i32
      %add3A_278 = arith.addi %add3A_134, %add3A_277 : i32
      %dma_wait3A_279 = arith.constant 3 : i32
      %dma_wait3A_280 = arith.constant 0 : i32
      %dma_wait3A_281 = arith.constant 0 : i32
      %dma_wait3A_282 = tpu.memref_slice %arg6[%dma_wait3A_279, %dma_wait3A_280, %dma_wait3A_281] : memref<8x64x128xf32, #tpu.memory_space<vmem>> -> memref<1x64x128xf32, #tpu.memory_space<vmem>>
      %dma_wait3A_283 = tpu.memref_squeeze %dma_wait3A_282 : memref<1x64x128xf32, #tpu.memory_space<vmem>> -> memref<64x128xf32, #tpu.memory_space<vmem>>
      %dma_wait3A_284 = arith.constant 0 : i32
      %dma_wait3A_285 = tpu.memref_slice %arg5[%dma_wait3A_284] : memref<25600xi32, #tpu.memory_space<vmem>> -> memref<64xi32, #tpu.memory_space<vmem>>
      %dma_wait3A_286 = arith.constant 0 : i32
      %dma_wait3A_287 = arith.constant 0 : i32
      %dma_wait3A_288 = tpu.memref_slice %arg3[%dma_wait3A_286, %dma_wait3A_287] : memref<100000x128xf32, #tpu.memory_space<hbm>> -> memref<100000x128xf32, #tpu.memory_space<hbm>>
      tpu.wait_indirect_dma semaphore(%arg11 : memref<!tpu.dma_semaphore, #tpu.memory_space<semaphore_mem>>) src(%dma_wait3A_288 : memref<100000x128xf32, #tpu.memory_space<hbm>>) dst(%dma_wait3A_283 : memref<64x128xf32, #tpu.memory_space<vmem>>)
      %ge3A_289 = arith.constant 4 : i32
      %ge3A_290 = arith.cmpi sge, %add3A_278, %ge3A_289 : i32
      %convert_element_type3A_291 = arith.extui %ge3A_290 : i1 to i32
      %cond3A_292 = arith.constant 0 : i32
      %cond3A_293 = arith.cmpi ne, %convert_element_type3A_291, %cond3A_292 : i32
      scf.if %cond3A_293 {
        %dma_wait3A_522 = arith.constant 3 : i32
        %dma_wait3A_523 = arith.constant 0 : i32
        %dma_wait3A_524 = tpu.memref_slice %arg4[%mul3A_2, %dma_wait3A_523] : memref<819200x128xf32, #tpu.memory_space<hbm>> -> memref<64x128xf32, #tpu.memory_space<hbm>>
        %dma_wait3A_525 = arith.constant 0 : i32
        %dma_wait3A_526 = arith.constant 0 : i32
        %dma_wait3A_527 = tpu.memref_slice %arg7[%arg1, %dma_wait3A_522, %dma_wait3A_525, %dma_wait3A_526] : memref<16x4x64x128xf32, #tpu.memory_space<vmem_shared>> -> memref<1x1x64x128xf32, #tpu.memory_space<vmem_shared>>
        %dma_wait3A_528 = tpu.memref_squeeze %dma_wait3A_527 : memref<1x1x64x128xf32, #tpu.memory_space<vmem_shared>> -> memref<64x128xf32, #tpu.memory_space<vmem_shared>>
        tpu.wait_dma2 semaphore(%arg27 : memref<!tpu.dma_semaphore, #tpu.memory_space<semaphore_mem>>) src(%dma_wait3A_528 : memref<64x128xf32, #tpu.memory_space<vmem_shared>>) dst(%dma_wait3A_524 : memref<64x128xf32, #tpu.memory_space<hbm>>)
      } else {
      }
      %dma_start3A_294 = arith.constant 3 : i32
      %dma_start3A_295 = arith.constant 3 : i32
      %dma_start3A_296 = arith.constant 0 : i32
      %dma_start3A_297 = arith.constant 0 : i32
      %dma_start3A_298 = tpu.memref_slice %arg6[%dma_start3A_294, %dma_start3A_296, %dma_start3A_297] : memref<8x64x128xf32, #tpu.memory_space<vmem>> -> memref<1x64x128xf32, #tpu.memory_space<vmem>>
      %dma_start3A_299 = tpu.memref_squeeze %dma_start3A_298 : memref<1x64x128xf32, #tpu.memory_space<vmem>> -> memref<64x128xf32, #tpu.memory_space<vmem>>
      %dma_start3A_300 = arith.constant 0 : i32
      %dma_start3A_301 = arith.constant 0 : i32
      %dma_start3A_302 = tpu.memref_slice %arg7[%arg1, %dma_start3A_295, %dma_start3A_300, %dma_start3A_301] : memref<16x4x64x128xf32, #tpu.memory_space<vmem_shared>> -> memref<1x1x64x128xf32, #tpu.memory_space<vmem_shared>>
      %dma_start3A_303 = tpu.memref_squeeze %dma_start3A_302 : memref<1x1x64x128xf32, #tpu.memory_space<vmem_shared>> -> memref<64x128xf32, #tpu.memory_space<vmem_shared>>
      %dma_start3A_304 = arith.constant 0 : i32
      %dma_start3A_305 = arith.constant 0 : i32
      %dma_start3A_306 = tpu.memref_slice %arg7[%arg1, %dma_start3A_295, %dma_start3A_304, %dma_start3A_305] : memref<16x4x64x128xf32, #tpu.memory_space<vmem_shared>> -> memref<1x1x64x128xf32, #tpu.memory_space<vmem_shared>>
      %dma_start3A_307 = tpu.memref_squeeze %dma_start3A_306 : memref<1x1x64x128xf32, #tpu.memory_space<vmem_shared>> -> memref<64x128xf32, #tpu.memory_space<vmem_shared>>
      %dma_start3A_308 = arith.constant 0 : i32
      %dma_start3A_309 = arith.constant 0 : i32
      %dma_start3A_310 = tpu.memref_slice %arg6[%dma_start3A_294, %dma_start3A_308, %dma_start3A_309] : memref<8x64x128xf32, #tpu.memory_space<vmem>> -> memref<1x64x128xf32, #tpu.memory_space<vmem>>
      %dma_start3A_311 = tpu.memref_squeeze %dma_start3A_310 : memref<1x64x128xf32, #tpu.memory_space<vmem>> -> memref<64x128xf32, #tpu.memory_space<vmem>>
      tpu.enqueue_dma source(%dma_start3A_311 : memref<64x128xf32, #tpu.memory_space<vmem>>) target(%dma_start3A_307 : memref<64x128xf32, #tpu.memory_space<vmem_shared>>) target_semaphore(%arg19 : memref<!tpu.dma_semaphore, #tpu.memory_space<semaphore_mem>>)
      %add3A_312 = arith.constant 8 : i32
      %add3A_313 = arith.addi %add3A_278, %add3A_312 : i32
      %sub3A_314 = arith.constant 1 : i32
      %sub3A_315 = arith.subi %add3A_313, %sub3A_314 : i32
      %ge3A_316 = arith.constant 1 : i32
      %ge3A_317 = arith.cmpi sge, %add3A_278, %ge3A_316 : i32
      %convert_element_type3A_318 = arith.extui %ge3A_317 : i1 to i32
      %cond3A_319 = arith.constant 0 : i32
      %cond3A_320 = arith.cmpi ne, %convert_element_type3A_318, %cond3A_319 : i32
      scf.if %cond3A_320 {
        %dma_wait3A_522 = arith.constant 2 : i32
        %dma_wait3A_523 = arith.constant 2 : i32
        %dma_wait3A_524 = arith.constant 0 : i32
        %dma_wait3A_525 = arith.constant 0 : i32
        %dma_wait3A_526 = tpu.memref_slice %arg6[%dma_wait3A_522, %dma_wait3A_524, %dma_wait3A_525] : memref<8x64x128xf32, #tpu.memory_space<vmem>> -> memref<1x64x128xf32, #tpu.memory_space<vmem>>
        %dma_wait3A_527 = tpu.memref_squeeze %dma_wait3A_526 : memref<1x64x128xf32, #tpu.memory_space<vmem>> -> memref<64x128xf32, #tpu.memory_space<vmem>>
        %dma_wait3A_528 = arith.constant 0 : i32
        %dma_wait3A_529 = arith.constant 0 : i32
        %dma_wait3A_530 = tpu.memref_slice %arg7[%arg1, %dma_wait3A_523, %dma_wait3A_528, %dma_wait3A_529] : memref<16x4x64x128xf32, #tpu.memory_space<vmem_shared>> -> memref<1x1x64x128xf32, #tpu.memory_space<vmem_shared>>
        %dma_wait3A_531 = tpu.memref_squeeze %dma_wait3A_530 : memref<1x1x64x128xf32, #tpu.memory_space<vmem_shared>> -> memref<64x128xf32, #tpu.memory_space<vmem_shared>>
        %dma_wait3A_532 = arith.constant 0 : i32
        %dma_wait3A_533 = arith.constant 0 : i32
        %dma_wait3A_534 = tpu.memref_slice %arg7[%arg1, %dma_wait3A_523, %dma_wait3A_532, %dma_wait3A_533] : memref<16x4x64x128xf32, #tpu.memory_space<vmem_shared>> -> memref<1x1x64x128xf32, #tpu.memory_space<vmem_shared>>
        %dma_wait3A_535 = tpu.memref_squeeze %dma_wait3A_534 : memref<1x1x64x128xf32, #tpu.memory_space<vmem_shared>> -> memref<64x128xf32, #tpu.memory_space<vmem_shared>>
        %dma_wait3A_536 = arith.constant 0 : i32
        %dma_wait3A_537 = arith.constant 0 : i32
        %dma_wait3A_538 = tpu.memref_slice %arg6[%dma_wait3A_522, %dma_wait3A_536, %dma_wait3A_537] : memref<8x64x128xf32, #tpu.memory_space<vmem>> -> memref<1x64x128xf32, #tpu.memory_space<vmem>>
        %dma_wait3A_539 = tpu.memref_squeeze %dma_wait3A_538 : memref<1x64x128xf32, #tpu.memory_space<vmem>> -> memref<64x128xf32, #tpu.memory_space<vmem>>
        tpu.wait_dma2 semaphore(%arg18 : memref<!tpu.dma_semaphore, #tpu.memory_space<semaphore_mem>>) src(%dma_wait3A_539 : memref<64x128xf32, #tpu.memory_space<vmem>>) dst(%dma_wait3A_535 : memref<64x128xf32, #tpu.memory_space<vmem_shared>>)
        %sub3A_540 = arith.constant 1 : i32
        %sub3A_541 = arith.subi %add3A_278, %sub3A_540 : i32
        %mul3A_542 = arith.constant 64 : i32
        %mul3A_543 = arith.muli %sub3A_541, %mul3A_542 : i32
        %add3A_544 = arith.addi %mul3A_2, %mul3A_543 : i32
        %dma_start3A_545 = arith.constant 2 : i32
        %dma_start3A_546 = arith.constant 0 : i32
        %dma_start3A_547 = tpu.memref_slice %arg4[%add3A_544, %dma_start3A_546] : memref<819200x128xf32, #tpu.memory_space<hbm>> -> memref<64x128xf32, #tpu.memory_space<hbm>>
        %dma_start3A_548 = arith.constant 0 : i32
        %dma_start3A_549 = arith.constant 0 : i32
        %dma_start3A_550 = tpu.memref_slice %arg7[%arg1, %dma_start3A_545, %dma_start3A_548, %dma_start3A_549] : memref<16x4x64x128xf32, #tpu.memory_space<vmem_shared>> -> memref<1x1x64x128xf32, #tpu.memory_space<vmem_shared>>
        %dma_start3A_551 = tpu.memref_squeeze %dma_start3A_550 : memref<1x1x64x128xf32, #tpu.memory_space<vmem_shared>> -> memref<64x128xf32, #tpu.memory_space<vmem_shared>>
        tpu.enqueue_dma source(%dma_start3A_551 : memref<64x128xf32, #tpu.memory_space<vmem_shared>>) target(%dma_start3A_547 : memref<64x128xf32, #tpu.memory_space<hbm>>) target_semaphore(%arg26 : memref<!tpu.dma_semaphore, #tpu.memory_space<semaphore_mem>>)
      } else {
      }
      %lt3A_321 = arith.constant 400 : i32
      %lt3A_322 = arith.cmpi slt, %sub3A_315, %lt3A_321 : i32
      %convert_element_type3A_323 = arith.extui %lt3A_322 : i1 to i32
      %cond3A_324 = arith.constant 0 : i32
      %cond3A_325 = arith.cmpi ne, %convert_element_type3A_323, %cond3A_324 : i32
      scf.if %cond3A_325 {
        %mul3A_522 = arith.constant 64 : i32
        %mul3A_523 = arith.muli %sub3A_315, %mul3A_522 : i32
        %dma_start3A_524 = arith.constant 2 : i32
        %dma_start3A_525 = arith.constant 0 : i32
        %dma_start3A_526 = arith.constant 0 : i32
        %dma_start3A_527 = tpu.memref_slice %arg6[%dma_start3A_524, %dma_start3A_525, %dma_start3A_526] : memref<8x64x128xf32, #tpu.memory_space<vmem>> -> memref<1x64x128xf32, #tpu.memory_space<vmem>>
        %dma_start3A_528 = tpu.memref_squeeze %dma_start3A_527 : memref<1x64x128xf32, #tpu.memory_space<vmem>> -> memref<64x128xf32, #tpu.memory_space<vmem>>
        %dma_start3A_529 = tpu.memref_slice %arg5[%mul3A_523] : memref<25600xi32, #tpu.memory_space<vmem>> -> memref<64xi32, #tpu.memory_space<vmem>>
        %dma_start3A_530 = arith.constant 0 : i32
        %dma_start3A_531 = arith.constant 0 : i32
        %dma_start3A_532 = tpu.memref_slice %arg3[%dma_start3A_530, %dma_start3A_531] : memref<100000x128xf32, #tpu.memory_space<hbm>> -> memref<100000x128xf32, #tpu.memory_space<hbm>>
        tpu.enqueue_indirect_dma source(%dma_start3A_532 : memref<100000x128xf32, #tpu.memory_space<hbm>>) target(%dma_start3A_528 : memref<64x128xf32, #tpu.memory_space<vmem>>) offsets(%dma_start3A_529 : memref<64xi32, #tpu.memory_space<vmem>>) semaphore(%arg10 : memref<!tpu.dma_semaphore, #tpu.memory_space<semaphore_mem>>)
      } else {
      }
      %add3A_326 = arith.constant 4 : i32
      %add3A_327 = arith.addi %add3A_134, %add3A_326 : i32
      %dma_wait3A_328 = arith.constant 4 : i32
      %dma_wait3A_329 = arith.constant 0 : i32
      %dma_wait3A_330 = arith.constant 0 : i32
      %dma_wait3A_331 = tpu.memref_slice %arg6[%dma_wait3A_328, %dma_wait3A_329, %dma_wait3A_330] : memref<8x64x128xf32, #tpu.memory_space<vmem>> -> memref<1x64x128xf32, #tpu.memory_space<vmem>>
      %dma_wait3A_332 = tpu.memref_squeeze %dma_wait3A_331 : memref<1x64x128xf32, #tpu.memory_space<vmem>> -> memref<64x128xf32, #tpu.memory_space<vmem>>
      %dma_wait3A_333 = arith.constant 0 : i32
      %dma_wait3A_334 = tpu.memref_slice %arg5[%dma_wait3A_333] : memref<25600xi32, #tpu.memory_space<vmem>> -> memref<64xi32, #tpu.memory_space<vmem>>
      %dma_wait3A_335 = arith.constant 0 : i32
      %dma_wait3A_336 = arith.constant 0 : i32
      %dma_wait3A_337 = tpu.memref_slice %arg3[%dma_wait3A_335, %dma_wait3A_336] : memref<100000x128xf32, #tpu.memory_space<hbm>> -> memref<100000x128xf32, #tpu.memory_space<hbm>>
      tpu.wait_indirect_dma semaphore(%arg12 : memref<!tpu.dma_semaphore, #tpu.memory_space<semaphore_mem>>) src(%dma_wait3A_337 : memref<100000x128xf32, #tpu.memory_space<hbm>>) dst(%dma_wait3A_332 : memref<64x128xf32, #tpu.memory_space<vmem>>)
      %ge3A_338 = arith.constant 4 : i32
      %ge3A_339 = arith.cmpi sge, %add3A_327, %ge3A_338 : i32
      %convert_element_type3A_340 = arith.extui %ge3A_339 : i1 to i32
      %cond3A_341 = arith.constant 0 : i32
      %cond3A_342 = arith.cmpi ne, %convert_element_type3A_340, %cond3A_341 : i32
      scf.if %cond3A_342 {
        %dma_wait3A_522 = arith.constant 0 : i32
        %dma_wait3A_523 = arith.constant 0 : i32
        %dma_wait3A_524 = tpu.memref_slice %arg4[%mul3A_2, %dma_wait3A_523] : memref<819200x128xf32, #tpu.memory_space<hbm>> -> memref<64x128xf32, #tpu.memory_space<hbm>>
        %dma_wait3A_525 = arith.constant 0 : i32
        %dma_wait3A_526 = arith.constant 0 : i32
        %dma_wait3A_527 = tpu.memref_slice %arg7[%arg1, %dma_wait3A_522, %dma_wait3A_525, %dma_wait3A_526] : memref<16x4x64x128xf32, #tpu.memory_space<vmem_shared>> -> memref<1x1x64x128xf32, #tpu.memory_space<vmem_shared>>
        %dma_wait3A_528 = tpu.memref_squeeze %dma_wait3A_527 : memref<1x1x64x128xf32, #tpu.memory_space<vmem_shared>> -> memref<64x128xf32, #tpu.memory_space<vmem_shared>>
        tpu.wait_dma2 semaphore(%arg24 : memref<!tpu.dma_semaphore, #tpu.memory_space<semaphore_mem>>) src(%dma_wait3A_528 : memref<64x128xf32, #tpu.memory_space<vmem_shared>>) dst(%dma_wait3A_524 : memref<64x128xf32, #tpu.memory_space<hbm>>)
      } else {
      }
      %dma_start3A_343 = arith.constant 4 : i32
      %dma_start3A_344 = arith.constant 0 : i32
      %dma_start3A_345 = arith.constant 0 : i32
      %dma_start3A_346 = arith.constant 0 : i32
      %dma_start3A_347 = tpu.memref_slice %arg6[%dma_start3A_343, %dma_start3A_345, %dma_start3A_346] : memref<8x64x128xf32, #tpu.memory_space<vmem>> -> memref<1x64x128xf32, #tpu.memory_space<vmem>>
      %dma_start3A_348 = tpu.memref_squeeze %dma_start3A_347 : memref<1x64x128xf32, #tpu.memory_space<vmem>> -> memref<64x128xf32, #tpu.memory_space<vmem>>
      %dma_start3A_349 = arith.constant 0 : i32
      %dma_start3A_350 = arith.constant 0 : i32
      %dma_start3A_351 = tpu.memref_slice %arg7[%arg1, %dma_start3A_344, %dma_start3A_349, %dma_start3A_350] : memref<16x4x64x128xf32, #tpu.memory_space<vmem_shared>> -> memref<1x1x64x128xf32, #tpu.memory_space<vmem_shared>>
      %dma_start3A_352 = tpu.memref_squeeze %dma_start3A_351 : memref<1x1x64x128xf32, #tpu.memory_space<vmem_shared>> -> memref<64x128xf32, #tpu.memory_space<vmem_shared>>
      %dma_start3A_353 = arith.constant 0 : i32
      %dma_start3A_354 = arith.constant 0 : i32
      %dma_start3A_355 = tpu.memref_slice %arg7[%arg1, %dma_start3A_344, %dma_start3A_353, %dma_start3A_354] : memref<16x4x64x128xf32, #tpu.memory_space<vmem_shared>> -> memref<1x1x64x128xf32, #tpu.memory_space<vmem_shared>>
      %dma_start3A_356 = tpu.memref_squeeze %dma_start3A_355 : memref<1x1x64x128xf32, #tpu.memory_space<vmem_shared>> -> memref<64x128xf32, #tpu.memory_space<vmem_shared>>
      %dma_start3A_357 = arith.constant 0 : i32
      %dma_start3A_358 = arith.constant 0 : i32
      %dma_start3A_359 = tpu.memref_slice %arg6[%dma_start3A_343, %dma_start3A_357, %dma_start3A_358] : memref<8x64x128xf32, #tpu.memory_space<vmem>> -> memref<1x64x128xf32, #tpu.memory_space<vmem>>
      %dma_start3A_360 = tpu.memref_squeeze %dma_start3A_359 : memref<1x64x128xf32, #tpu.memory_space<vmem>> -> memref<64x128xf32, #tpu.memory_space<vmem>>
      tpu.enqueue_dma source(%dma_start3A_360 : memref<64x128xf32, #tpu.memory_space<vmem>>) target(%dma_start3A_356 : memref<64x128xf32, #tpu.memory_space<vmem_shared>>) target_semaphore(%arg20 : memref<!tpu.dma_semaphore, #tpu.memory_space<semaphore_mem>>)
      %add3A_361 = arith.constant 8 : i32
      %add3A_362 = arith.addi %add3A_327, %add3A_361 : i32
      %sub3A_363 = arith.constant 1 : i32
      %sub3A_364 = arith.subi %add3A_362, %sub3A_363 : i32
      %ge3A_365 = arith.constant 1 : i32
      %ge3A_366 = arith.cmpi sge, %add3A_327, %ge3A_365 : i32
      %convert_element_type3A_367 = arith.extui %ge3A_366 : i1 to i32
      %cond3A_368 = arith.constant 0 : i32
      %cond3A_369 = arith.cmpi ne, %convert_element_type3A_367, %cond3A_368 : i32
      scf.if %cond3A_369 {
        %dma_wait3A_522 = arith.constant 3 : i32
        %dma_wait3A_523 = arith.constant 3 : i32
        %dma_wait3A_524 = arith.constant 0 : i32
        %dma_wait3A_525 = arith.constant 0 : i32
        %dma_wait3A_526 = tpu.memref_slice %arg6[%dma_wait3A_522, %dma_wait3A_524, %dma_wait3A_525] : memref<8x64x128xf32, #tpu.memory_space<vmem>> -> memref<1x64x128xf32, #tpu.memory_space<vmem>>
        %dma_wait3A_527 = tpu.memref_squeeze %dma_wait3A_526 : memref<1x64x128xf32, #tpu.memory_space<vmem>> -> memref<64x128xf32, #tpu.memory_space<vmem>>
        %dma_wait3A_528 = arith.constant 0 : i32
        %dma_wait3A_529 = arith.constant 0 : i32
        %dma_wait3A_530 = tpu.memref_slice %arg7[%arg1, %dma_wait3A_523, %dma_wait3A_528, %dma_wait3A_529] : memref<16x4x64x128xf32, #tpu.memory_space<vmem_shared>> -> memref<1x1x64x128xf32, #tpu.memory_space<vmem_shared>>
        %dma_wait3A_531 = tpu.memref_squeeze %dma_wait3A_530 : memref<1x1x64x128xf32, #tpu.memory_space<vmem_shared>> -> memref<64x128xf32, #tpu.memory_space<vmem_shared>>
        %dma_wait3A_532 = arith.constant 0 : i32
        %dma_wait3A_533 = arith.constant 0 : i32
        %dma_wait3A_534 = tpu.memref_slice %arg7[%arg1, %dma_wait3A_523, %dma_wait3A_532, %dma_wait3A_533] : memref<16x4x64x128xf32, #tpu.memory_space<vmem_shared>> -> memref<1x1x64x128xf32, #tpu.memory_space<vmem_shared>>
        %dma_wait3A_535 = tpu.memref_squeeze %dma_wait3A_534 : memref<1x1x64x128xf32, #tpu.memory_space<vmem_shared>> -> memref<64x128xf32, #tpu.memory_space<vmem_shared>>
        %dma_wait3A_536 = arith.constant 0 : i32
        %dma_wait3A_537 = arith.constant 0 : i32
        %dma_wait3A_538 = tpu.memref_slice %arg6[%dma_wait3A_522, %dma_wait3A_536, %dma_wait3A_537] : memref<8x64x128xf32, #tpu.memory_space<vmem>> -> memref<1x64x128xf32, #tpu.memory_space<vmem>>
        %dma_wait3A_539 = tpu.memref_squeeze %dma_wait3A_538 : memref<1x64x128xf32, #tpu.memory_space<vmem>> -> memref<64x128xf32, #tpu.memory_space<vmem>>
        tpu.wait_dma2 semaphore(%arg19 : memref<!tpu.dma_semaphore, #tpu.memory_space<semaphore_mem>>) src(%dma_wait3A_539 : memref<64x128xf32, #tpu.memory_space<vmem>>) dst(%dma_wait3A_535 : memref<64x128xf32, #tpu.memory_space<vmem_shared>>)
        %sub3A_540 = arith.constant 1 : i32
        %sub3A_541 = arith.subi %add3A_327, %sub3A_540 : i32
        %mul3A_542 = arith.constant 64 : i32
        %mul3A_543 = arith.muli %sub3A_541, %mul3A_542 : i32
        %add3A_544 = arith.addi %mul3A_2, %mul3A_543 : i32
        %dma_start3A_545 = arith.constant 3 : i32
        %dma_start3A_546 = arith.constant 0 : i32
        %dma_start3A_547 = tpu.memref_slice %arg4[%add3A_544, %dma_start3A_546] : memref<819200x128xf32, #tpu.memory_space<hbm>> -> memref<64x128xf32, #tpu.memory_space<hbm>>
        %dma_start3A_548 = arith.constant 0 : i32
        %dma_start3A_549 = arith.constant 0 : i32
        %dma_start3A_550 = tpu.memref_slice %arg7[%arg1, %dma_start3A_545, %dma_start3A_548, %dma_start3A_549] : memref<16x4x64x128xf32, #tpu.memory_space<vmem_shared>> -> memref<1x1x64x128xf32, #tpu.memory_space<vmem_shared>>
        %dma_start3A_551 = tpu.memref_squeeze %dma_start3A_550 : memref<1x1x64x128xf32, #tpu.memory_space<vmem_shared>> -> memref<64x128xf32, #tpu.memory_space<vmem_shared>>
        tpu.enqueue_dma source(%dma_start3A_551 : memref<64x128xf32, #tpu.memory_space<vmem_shared>>) target(%dma_start3A_547 : memref<64x128xf32, #tpu.memory_space<hbm>>) target_semaphore(%arg27 : memref<!tpu.dma_semaphore, #tpu.memory_space<semaphore_mem>>)
      } else {
      }
      %lt3A_370 = arith.constant 400 : i32
      %lt3A_371 = arith.cmpi slt, %sub3A_364, %lt3A_370 : i32
      %convert_element_type3A_372 = arith.extui %lt3A_371 : i1 to i32
      %cond3A_373 = arith.constant 0 : i32
      %cond3A_374 = arith.cmpi ne, %convert_element_type3A_372, %cond3A_373 : i32
      scf.if %cond3A_374 {
        %mul3A_522 = arith.constant 64 : i32
        %mul3A_523 = arith.muli %sub3A_364, %mul3A_522 : i32
        %dma_start3A_524 = arith.constant 3 : i32
        %dma_start3A_525 = arith.constant 0 : i32
        %dma_start3A_526 = arith.constant 0 : i32
        %dma_start3A_527 = tpu.memref_slice %arg6[%dma_start3A_524, %dma_start3A_525, %dma_start3A_526] : memref<8x64x128xf32, #tpu.memory_space<vmem>> -> memref<1x64x128xf32, #tpu.memory_space<vmem>>
        %dma_start3A_528 = tpu.memref_squeeze %dma_start3A_527 : memref<1x64x128xf32, #tpu.memory_space<vmem>> -> memref<64x128xf32, #tpu.memory_space<vmem>>
        %dma_start3A_529 = tpu.memref_slice %arg5[%mul3A_523] : memref<25600xi32, #tpu.memory_space<vmem>> -> memref<64xi32, #tpu.memory_space<vmem>>
        %dma_start3A_530 = arith.constant 0 : i32
        %dma_start3A_531 = arith.constant 0 : i32
        %dma_start3A_532 = tpu.memref_slice %arg3[%dma_start3A_530, %dma_start3A_531] : memref<100000x128xf32, #tpu.memory_space<hbm>> -> memref<100000x128xf32, #tpu.memory_space<hbm>>
        tpu.enqueue_indirect_dma source(%dma_start3A_532 : memref<100000x128xf32, #tpu.memory_space<hbm>>) target(%dma_start3A_528 : memref<64x128xf32, #tpu.memory_space<vmem>>) offsets(%dma_start3A_529 : memref<64xi32, #tpu.memory_space<vmem>>) semaphore(%arg11 : memref<!tpu.dma_semaphore, #tpu.memory_space<semaphore_mem>>)
      } else {
      }
      %add3A_375 = arith.constant 5 : i32
      %add3A_376 = arith.addi %add3A_134, %add3A_375 : i32
      %dma_wait3A_377 = arith.constant 5 : i32
      %dma_wait3A_378 = arith.constant 0 : i32
      %dma_wait3A_379 = arith.constant 0 : i32
      %dma_wait3A_380 = tpu.memref_slice %arg6[%dma_wait3A_377, %dma_wait3A_378, %dma_wait3A_379] : memref<8x64x128xf32, #tpu.memory_space<vmem>> -> memref<1x64x128xf32, #tpu.memory_space<vmem>>
      %dma_wait3A_381 = tpu.memref_squeeze %dma_wait3A_380 : memref<1x64x128xf32, #tpu.memory_space<vmem>> -> memref<64x128xf32, #tpu.memory_space<vmem>>
      %dma_wait3A_382 = arith.constant 0 : i32
      %dma_wait3A_383 = tpu.memref_slice %arg5[%dma_wait3A_382] : memref<25600xi32, #tpu.memory_space<vmem>> -> memref<64xi32, #tpu.memory_space<vmem>>
      %dma_wait3A_384 = arith.constant 0 : i32
      %dma_wait3A_385 = arith.constant 0 : i32
      %dma_wait3A_386 = tpu.memref_slice %arg3[%dma_wait3A_384, %dma_wait3A_385] : memref<100000x128xf32, #tpu.memory_space<hbm>> -> memref<100000x128xf32, #tpu.memory_space<hbm>>
      tpu.wait_indirect_dma semaphore(%arg13 : memref<!tpu.dma_semaphore, #tpu.memory_space<semaphore_mem>>) src(%dma_wait3A_386 : memref<100000x128xf32, #tpu.memory_space<hbm>>) dst(%dma_wait3A_381 : memref<64x128xf32, #tpu.memory_space<vmem>>)
      %ge3A_387 = arith.constant 4 : i32
      %ge3A_388 = arith.cmpi sge, %add3A_376, %ge3A_387 : i32
      %convert_element_type3A_389 = arith.extui %ge3A_388 : i1 to i32
      %cond3A_390 = arith.constant 0 : i32
      %cond3A_391 = arith.cmpi ne, %convert_element_type3A_389, %cond3A_390 : i32
      scf.if %cond3A_391 {
        %dma_wait3A_522 = arith.constant 1 : i32
        %dma_wait3A_523 = arith.constant 0 : i32
        %dma_wait3A_524 = tpu.memref_slice %arg4[%mul3A_2, %dma_wait3A_523] : memref<819200x128xf32, #tpu.memory_space<hbm>> -> memref<64x128xf32, #tpu.memory_space<hbm>>
        %dma_wait3A_525 = arith.constant 0 : i32
        %dma_wait3A_526 = arith.constant 0 : i32
        %dma_wait3A_527 = tpu.memref_slice %arg7[%arg1, %dma_wait3A_522, %dma_wait3A_525, %dma_wait3A_526] : memref<16x4x64x128xf32, #tpu.memory_space<vmem_shared>> -> memref<1x1x64x128xf32, #tpu.memory_space<vmem_shared>>
        %dma_wait3A_528 = tpu.memref_squeeze %dma_wait3A_527 : memref<1x1x64x128xf32, #tpu.memory_space<vmem_shared>> -> memref<64x128xf32, #tpu.memory_space<vmem_shared>>
        tpu.wait_dma2 semaphore(%arg25 : memref<!tpu.dma_semaphore, #tpu.memory_space<semaphore_mem>>) src(%dma_wait3A_528 : memref<64x128xf32, #tpu.memory_space<vmem_shared>>) dst(%dma_wait3A_524 : memref<64x128xf32, #tpu.memory_space<hbm>>)
      } else {
      }
      %dma_start3A_392 = arith.constant 5 : i32
      %dma_start3A_393 = arith.constant 1 : i32
      %dma_start3A_394 = arith.constant 0 : i32
      %dma_start3A_395 = arith.constant 0 : i32
      %dma_start3A_396 = tpu.memref_slice %arg6[%dma_start3A_392, %dma_start3A_394, %dma_start3A_395] : memref<8x64x128xf32, #tpu.memory_space<vmem>> -> memref<1x64x128xf32, #tpu.memory_space<vmem>>
      %dma_start3A_397 = tpu.memref_squeeze %dma_start3A_396 : memref<1x64x128xf32, #tpu.memory_space<vmem>> -> memref<64x128xf32, #tpu.memory_space<vmem>>
      %dma_start3A_398 = arith.constant 0 : i32
      %dma_start3A_399 = arith.constant 0 : i32
      %dma_start3A_400 = tpu.memref_slice %arg7[%arg1, %dma_start3A_393, %dma_start3A_398, %dma_start3A_399] : memref<16x4x64x128xf32, #tpu.memory_space<vmem_shared>> -> memref<1x1x64x128xf32, #tpu.memory_space<vmem_shared>>
      %dma_start3A_401 = tpu.memref_squeeze %dma_start3A_400 : memref<1x1x64x128xf32, #tpu.memory_space<vmem_shared>> -> memref<64x128xf32, #tpu.memory_space<vmem_shared>>
      %dma_start3A_402 = arith.constant 0 : i32
      %dma_start3A_403 = arith.constant 0 : i32
      %dma_start3A_404 = tpu.memref_slice %arg7[%arg1, %dma_start3A_393, %dma_start3A_402, %dma_start3A_403] : memref<16x4x64x128xf32, #tpu.memory_space<vmem_shared>> -> memref<1x1x64x128xf32, #tpu.memory_space<vmem_shared>>
      %dma_start3A_405 = tpu.memref_squeeze %dma_start3A_404 : memref<1x1x64x128xf32, #tpu.memory_space<vmem_shared>> -> memref<64x128xf32, #tpu.memory_space<vmem_shared>>
      %dma_start3A_406 = arith.constant 0 : i32
      %dma_start3A_407 = arith.constant 0 : i32
      %dma_start3A_408 = tpu.memref_slice %arg6[%dma_start3A_392, %dma_start3A_406, %dma_start3A_407] : memref<8x64x128xf32, #tpu.memory_space<vmem>> -> memref<1x64x128xf32, #tpu.memory_space<vmem>>
      %dma_start3A_409 = tpu.memref_squeeze %dma_start3A_408 : memref<1x64x128xf32, #tpu.memory_space<vmem>> -> memref<64x128xf32, #tpu.memory_space<vmem>>
      tpu.enqueue_dma source(%dma_start3A_409 : memref<64x128xf32, #tpu.memory_space<vmem>>) target(%dma_start3A_405 : memref<64x128xf32, #tpu.memory_space<vmem_shared>>) target_semaphore(%arg21 : memref<!tpu.dma_semaphore, #tpu.memory_space<semaphore_mem>>)
      %add3A_410 = arith.constant 8 : i32
      %add3A_411 = arith.addi %add3A_376, %add3A_410 : i32
      %sub3A_412 = arith.constant 1 : i32
      %sub3A_413 = arith.subi %add3A_411, %sub3A_412 : i32
      %ge3A_414 = arith.constant 1 : i32
      %ge3A_415 = arith.cmpi sge, %add3A_376, %ge3A_414 : i32
      %convert_element_type3A_416 = arith.extui %ge3A_415 : i1 to i32
      %cond3A_417 = arith.constant 0 : i32
      %cond3A_418 = arith.cmpi ne, %convert_element_type3A_416, %cond3A_417 : i32
      scf.if %cond3A_418 {
        %dma_wait3A_522 = arith.constant 4 : i32
        %dma_wait3A_523 = arith.constant 0 : i32
        %dma_wait3A_524 = arith.constant 0 : i32
        %dma_wait3A_525 = arith.constant 0 : i32
        %dma_wait3A_526 = tpu.memref_slice %arg6[%dma_wait3A_522, %dma_wait3A_524, %dma_wait3A_525] : memref<8x64x128xf32, #tpu.memory_space<vmem>> -> memref<1x64x128xf32, #tpu.memory_space<vmem>>
        %dma_wait3A_527 = tpu.memref_squeeze %dma_wait3A_526 : memref<1x64x128xf32, #tpu.memory_space<vmem>> -> memref<64x128xf32, #tpu.memory_space<vmem>>
        %dma_wait3A_528 = arith.constant 0 : i32
        %dma_wait3A_529 = arith.constant 0 : i32
        %dma_wait3A_530 = tpu.memref_slice %arg7[%arg1, %dma_wait3A_523, %dma_wait3A_528, %dma_wait3A_529] : memref<16x4x64x128xf32, #tpu.memory_space<vmem_shared>> -> memref<1x1x64x128xf32, #tpu.memory_space<vmem_shared>>
        %dma_wait3A_531 = tpu.memref_squeeze %dma_wait3A_530 : memref<1x1x64x128xf32, #tpu.memory_space<vmem_shared>> -> memref<64x128xf32, #tpu.memory_space<vmem_shared>>
        %dma_wait3A_532 = arith.constant 0 : i32
        %dma_wait3A_533 = arith.constant 0 : i32
        %dma_wait3A_534 = tpu.memref_slice %arg7[%arg1, %dma_wait3A_523, %dma_wait3A_532, %dma_wait3A_533] : memref<16x4x64x128xf32, #tpu.memory_space<vmem_shared>> -> memref<1x1x64x128xf32, #tpu.memory_space<vmem_shared>>
        %dma_wait3A_535 = tpu.memref_squeeze %dma_wait3A_534 : memref<1x1x64x128xf32, #tpu.memory_space<vmem_shared>> -> memref<64x128xf32, #tpu.memory_space<vmem_shared>>
        %dma_wait3A_536 = arith.constant 0 : i32
        %dma_wait3A_537 = arith.constant 0 : i32
        %dma_wait3A_538 = tpu.memref_slice %arg6[%dma_wait3A_522, %dma_wait3A_536, %dma_wait3A_537] : memref<8x64x128xf32, #tpu.memory_space<vmem>> -> memref<1x64x128xf32, #tpu.memory_space<vmem>>
        %dma_wait3A_539 = tpu.memref_squeeze %dma_wait3A_538 : memref<1x64x128xf32, #tpu.memory_space<vmem>> -> memref<64x128xf32, #tpu.memory_space<vmem>>
        tpu.wait_dma2 semaphore(%arg20 : memref<!tpu.dma_semaphore, #tpu.memory_space<semaphore_mem>>) src(%dma_wait3A_539 : memref<64x128xf32, #tpu.memory_space<vmem>>) dst(%dma_wait3A_535 : memref<64x128xf32, #tpu.memory_space<vmem_shared>>)
        %sub3A_540 = arith.constant 1 : i32
        %sub3A_541 = arith.subi %add3A_376, %sub3A_540 : i32
        %mul3A_542 = arith.constant 64 : i32
        %mul3A_543 = arith.muli %sub3A_541, %mul3A_542 : i32
        %add3A_544 = arith.addi %mul3A_2, %mul3A_543 : i32
        %dma_start3A_545 = arith.constant 0 : i32
        %dma_start3A_546 = arith.constant 0 : i32
        %dma_start3A_547 = tpu.memref_slice %arg4[%add3A_544, %dma_start3A_546] : memref<819200x128xf32, #tpu.memory_space<hbm>> -> memref<64x128xf32, #tpu.memory_space<hbm>>
        %dma_start3A_548 = arith.constant 0 : i32
        %dma_start3A_549 = arith.constant 0 : i32
        %dma_start3A_550 = tpu.memref_slice %arg7[%arg1, %dma_start3A_545, %dma_start3A_548, %dma_start3A_549] : memref<16x4x64x128xf32, #tpu.memory_space<vmem_shared>> -> memref<1x1x64x128xf32, #tpu.memory_space<vmem_shared>>
        %dma_start3A_551 = tpu.memref_squeeze %dma_start3A_550 : memref<1x1x64x128xf32, #tpu.memory_space<vmem_shared>> -> memref<64x128xf32, #tpu.memory_space<vmem_shared>>
        tpu.enqueue_dma source(%dma_start3A_551 : memref<64x128xf32, #tpu.memory_space<vmem_shared>>) target(%dma_start3A_547 : memref<64x128xf32, #tpu.memory_space<hbm>>) target_semaphore(%arg24 : memref<!tpu.dma_semaphore, #tpu.memory_space<semaphore_mem>>)
      } else {
      }
      %lt3A_419 = arith.constant 400 : i32
      %lt3A_420 = arith.cmpi slt, %sub3A_413, %lt3A_419 : i32
      %convert_element_type3A_421 = arith.extui %lt3A_420 : i1 to i32
      %cond3A_422 = arith.constant 0 : i32
      %cond3A_423 = arith.cmpi ne, %convert_element_type3A_421, %cond3A_422 : i32
      scf.if %cond3A_423 {
        %mul3A_522 = arith.constant 64 : i32
        %mul3A_523 = arith.muli %sub3A_413, %mul3A_522 : i32
        %dma_start3A_524 = arith.constant 4 : i32
        %dma_start3A_525 = arith.constant 0 : i32
        %dma_start3A_526 = arith.constant 0 : i32
        %dma_start3A_527 = tpu.memref_slice %arg6[%dma_start3A_524, %dma_start3A_525, %dma_start3A_526] : memref<8x64x128xf32, #tpu.memory_space<vmem>> -> memref<1x64x128xf32, #tpu.memory_space<vmem>>
        %dma_start3A_528 = tpu.memref_squeeze %dma_start3A_527 : memref<1x64x128xf32, #tpu.memory_space<vmem>> -> memref<64x128xf32, #tpu.memory_space<vmem>>
        %dma_start3A_529 = tpu.memref_slice %arg5[%mul3A_523] : memref<25600xi32, #tpu.memory_space<vmem>> -> memref<64xi32, #tpu.memory_space<vmem>>
        %dma_start3A_530 = arith.constant 0 : i32
        %dma_start3A_531 = arith.constant 0 : i32
        %dma_start3A_532 = tpu.memref_slice %arg3[%dma_start3A_530, %dma_start3A_531] : memref<100000x128xf32, #tpu.memory_space<hbm>> -> memref<100000x128xf32, #tpu.memory_space<hbm>>
        tpu.enqueue_indirect_dma source(%dma_start3A_532 : memref<100000x128xf32, #tpu.memory_space<hbm>>) target(%dma_start3A_528 : memref<64x128xf32, #tpu.memory_space<vmem>>) offsets(%dma_start3A_529 : memref<64xi32, #tpu.memory_space<vmem>>) semaphore(%arg12 : memref<!tpu.dma_semaphore, #tpu.memory_space<semaphore_mem>>)
      } else {
      }
      %add3A_424 = arith.constant 6 : i32
      %add3A_425 = arith.addi %add3A_134, %add3A_424 : i32
      %dma_wait3A_426 = arith.constant 6 : i32
      %dma_wait3A_427 = arith.constant 0 : i32
      %dma_wait3A_428 = arith.constant 0 : i32
      %dma_wait3A_429 = tpu.memref_slice %arg6[%dma_wait3A_426, %dma_wait3A_427, %dma_wait3A_428] : memref<8x64x128xf32, #tpu.memory_space<vmem>> -> memref<1x64x128xf32, #tpu.memory_space<vmem>>
      %dma_wait3A_430 = tpu.memref_squeeze %dma_wait3A_429 : memref<1x64x128xf32, #tpu.memory_space<vmem>> -> memref<64x128xf32, #tpu.memory_space<vmem>>
      %dma_wait3A_431 = arith.constant 0 : i32
      %dma_wait3A_432 = tpu.memref_slice %arg5[%dma_wait3A_431] : memref<25600xi32, #tpu.memory_space<vmem>> -> memref<64xi32, #tpu.memory_space<vmem>>
      %dma_wait3A_433 = arith.constant 0 : i32
      %dma_wait3A_434 = arith.constant 0 : i32
      %dma_wait3A_435 = tpu.memref_slice %arg3[%dma_wait3A_433, %dma_wait3A_434] : memref<100000x128xf32, #tpu.memory_space<hbm>> -> memref<100000x128xf32, #tpu.memory_space<hbm>>
      tpu.wait_indirect_dma semaphore(%arg14 : memref<!tpu.dma_semaphore, #tpu.memory_space<semaphore_mem>>) src(%dma_wait3A_435 : memref<100000x128xf32, #tpu.memory_space<hbm>>) dst(%dma_wait3A_430 : memref<64x128xf32, #tpu.memory_space<vmem>>)
      %ge3A_436 = arith.constant 4 : i32
      %ge3A_437 = arith.cmpi sge, %add3A_425, %ge3A_436 : i32
      %convert_element_type3A_438 = arith.extui %ge3A_437 : i1 to i32
      %cond3A_439 = arith.constant 0 : i32
      %cond3A_440 = arith.cmpi ne, %convert_element_type3A_438, %cond3A_439 : i32
      scf.if %cond3A_440 {
        %dma_wait3A_522 = arith.constant 2 : i32
        %dma_wait3A_523 = arith.constant 0 : i32
        %dma_wait3A_524 = tpu.memref_slice %arg4[%mul3A_2, %dma_wait3A_523] : memref<819200x128xf32, #tpu.memory_space<hbm>> -> memref<64x128xf32, #tpu.memory_space<hbm>>
        %dma_wait3A_525 = arith.constant 0 : i32
        %dma_wait3A_526 = arith.constant 0 : i32
        %dma_wait3A_527 = tpu.memref_slice %arg7[%arg1, %dma_wait3A_522, %dma_wait3A_525, %dma_wait3A_526] : memref<16x4x64x128xf32, #tpu.memory_space<vmem_shared>> -> memref<1x1x64x128xf32, #tpu.memory_space<vmem_shared>>
        %dma_wait3A_528 = tpu.memref_squeeze %dma_wait3A_527 : memref<1x1x64x128xf32, #tpu.memory_space<vmem_shared>> -> memref<64x128xf32, #tpu.memory_space<vmem_shared>>
        tpu.wait_dma2 semaphore(%arg26 : memref<!tpu.dma_semaphore, #tpu.memory_space<semaphore_mem>>) src(%dma_wait3A_528 : memref<64x128xf32, #tpu.memory_space<vmem_shared>>) dst(%dma_wait3A_524 : memref<64x128xf32, #tpu.memory_space<hbm>>)
      } else {
      }
      %dma_start3A_441 = arith.constant 6 : i32
      %dma_start3A_442 = arith.constant 2 : i32
      %dma_start3A_443 = arith.constant 0 : i32
      %dma_start3A_444 = arith.constant 0 : i32
      %dma_start3A_445 = tpu.memref_slice %arg6[%dma_start3A_441, %dma_start3A_443, %dma_start3A_444] : memref<8x64x128xf32, #tpu.memory_space<vmem>> -> memref<1x64x128xf32, #tpu.memory_space<vmem>>
      %dma_start3A_446 = tpu.memref_squeeze %dma_start3A_445 : memref<1x64x128xf32, #tpu.memory_space<vmem>> -> memref<64x128xf32, #tpu.memory_space<vmem>>
      %dma_start3A_447 = arith.constant 0 : i32
      %dma_start3A_448 = arith.constant 0 : i32
      %dma_start3A_449 = tpu.memref_slice %arg7[%arg1, %dma_start3A_442, %dma_start3A_447, %dma_start3A_448] : memref<16x4x64x128xf32, #tpu.memory_space<vmem_shared>> -> memref<1x1x64x128xf32, #tpu.memory_space<vmem_shared>>
      %dma_start3A_450 = tpu.memref_squeeze %dma_start3A_449 : memref<1x1x64x128xf32, #tpu.memory_space<vmem_shared>> -> memref<64x128xf32, #tpu.memory_space<vmem_shared>>
      %dma_start3A_451 = arith.constant 0 : i32
      %dma_start3A_452 = arith.constant 0 : i32
      %dma_start3A_453 = tpu.memref_slice %arg7[%arg1, %dma_start3A_442, %dma_start3A_451, %dma_start3A_452] : memref<16x4x64x128xf32, #tpu.memory_space<vmem_shared>> -> memref<1x1x64x128xf32, #tpu.memory_space<vmem_shared>>
      %dma_start3A_454 = tpu.memref_squeeze %dma_start3A_453 : memref<1x1x64x128xf32, #tpu.memory_space<vmem_shared>> -> memref<64x128xf32, #tpu.memory_space<vmem_shared>>
      %dma_start3A_455 = arith.constant 0 : i32
      %dma_start3A_456 = arith.constant 0 : i32
      %dma_start3A_457 = tpu.memref_slice %arg6[%dma_start3A_441, %dma_start3A_455, %dma_start3A_456] : memref<8x64x128xf32, #tpu.memory_space<vmem>> -> memref<1x64x128xf32, #tpu.memory_space<vmem>>
      %dma_start3A_458 = tpu.memref_squeeze %dma_start3A_457 : memref<1x64x128xf32, #tpu.memory_space<vmem>> -> memref<64x128xf32, #tpu.memory_space<vmem>>
      tpu.enqueue_dma source(%dma_start3A_458 : memref<64x128xf32, #tpu.memory_space<vmem>>) target(%dma_start3A_454 : memref<64x128xf32, #tpu.memory_space<vmem_shared>>) target_semaphore(%arg22 : memref<!tpu.dma_semaphore, #tpu.memory_space<semaphore_mem>>)
      %add3A_459 = arith.constant 8 : i32
      %add3A_460 = arith.addi %add3A_425, %add3A_459 : i32
      %sub3A_461 = arith.constant 1 : i32
      %sub3A_462 = arith.subi %add3A_460, %sub3A_461 : i32
      %ge3A_463 = arith.constant 1 : i32
      %ge3A_464 = arith.cmpi sge, %add3A_425, %ge3A_463 : i32
      %convert_element_type3A_465 = arith.extui %ge3A_464 : i1 to i32
      %cond3A_466 = arith.constant 0 : i32
      %cond3A_467 = arith.cmpi ne, %convert_element_type3A_465, %cond3A_466 : i32
      scf.if %cond3A_467 {
        %dma_wait3A_522 = arith.constant 5 : i32
        %dma_wait3A_523 = arith.constant 1 : i32
        %dma_wait3A_524 = arith.constant 0 : i32
        %dma_wait3A_525 = arith.constant 0 : i32
        %dma_wait3A_526 = tpu.memref_slice %arg6[%dma_wait3A_522, %dma_wait3A_524, %dma_wait3A_525] : memref<8x64x128xf32, #tpu.memory_space<vmem>> -> memref<1x64x128xf32, #tpu.memory_space<vmem>>
        %dma_wait3A_527 = tpu.memref_squeeze %dma_wait3A_526 : memref<1x64x128xf32, #tpu.memory_space<vmem>> -> memref<64x128xf32, #tpu.memory_space<vmem>>
        %dma_wait3A_528 = arith.constant 0 : i32
        %dma_wait3A_529 = arith.constant 0 : i32
        %dma_wait3A_530 = tpu.memref_slice %arg7[%arg1, %dma_wait3A_523, %dma_wait3A_528, %dma_wait3A_529] : memref<16x4x64x128xf32, #tpu.memory_space<vmem_shared>> -> memref<1x1x64x128xf32, #tpu.memory_space<vmem_shared>>
        %dma_wait3A_531 = tpu.memref_squeeze %dma_wait3A_530 : memref<1x1x64x128xf32, #tpu.memory_space<vmem_shared>> -> memref<64x128xf32, #tpu.memory_space<vmem_shared>>
        %dma_wait3A_532 = arith.constant 0 : i32
        %dma_wait3A_533 = arith.constant 0 : i32
        %dma_wait3A_534 = tpu.memref_slice %arg7[%arg1, %dma_wait3A_523, %dma_wait3A_532, %dma_wait3A_533] : memref<16x4x64x128xf32, #tpu.memory_space<vmem_shared>> -> memref<1x1x64x128xf32, #tpu.memory_space<vmem_shared>>
        %dma_wait3A_535 = tpu.memref_squeeze %dma_wait3A_534 : memref<1x1x64x128xf32, #tpu.memory_space<vmem_shared>> -> memref<64x128xf32, #tpu.memory_space<vmem_shared>>
        %dma_wait3A_536 = arith.constant 0 : i32
        %dma_wait3A_537 = arith.constant 0 : i32
        %dma_wait3A_538 = tpu.memref_slice %arg6[%dma_wait3A_522, %dma_wait3A_536, %dma_wait3A_537] : memref<8x64x128xf32, #tpu.memory_space<vmem>> -> memref<1x64x128xf32, #tpu.memory_space<vmem>>
        %dma_wait3A_539 = tpu.memref_squeeze %dma_wait3A_538 : memref<1x64x128xf32, #tpu.memory_space<vmem>> -> memref<64x128xf32, #tpu.memory_space<vmem>>
        tpu.wait_dma2 semaphore(%arg21 : memref<!tpu.dma_semaphore, #tpu.memory_space<semaphore_mem>>) src(%dma_wait3A_539 : memref<64x128xf32, #tpu.memory_space<vmem>>) dst(%dma_wait3A_535 : memref<64x128xf32, #tpu.memory_space<vmem_shared>>)
        %sub3A_540 = arith.constant 1 : i32
        %sub3A_541 = arith.subi %add3A_425, %sub3A_540 : i32
        %mul3A_542 = arith.constant 64 : i32
        %mul3A_543 = arith.muli %sub3A_541, %mul3A_542 : i32
        %add3A_544 = arith.addi %mul3A_2, %mul3A_543 : i32
        %dma_start3A_545 = arith.constant 1 : i32
        %dma_start3A_546 = arith.constant 0 : i32
        %dma_start3A_547 = tpu.memref_slice %arg4[%add3A_544, %dma_start3A_546] : memref<819200x128xf32, #tpu.memory_space<hbm>> -> memref<64x128xf32, #tpu.memory_space<hbm>>
        %dma_start3A_548 = arith.constant 0 : i32
        %dma_start3A_549 = arith.constant 0 : i32
        %dma_start3A_550 = tpu.memref_slice %arg7[%arg1, %dma_start3A_545, %dma_start3A_548, %dma_start3A_549] : memref<16x4x64x128xf32, #tpu.memory_space<vmem_shared>> -> memref<1x1x64x128xf32, #tpu.memory_space<vmem_shared>>
        %dma_start3A_551 = tpu.memref_squeeze %dma_start3A_550 : memref<1x1x64x128xf32, #tpu.memory_space<vmem_shared>> -> memref<64x128xf32, #tpu.memory_space<vmem_shared>>
        tpu.enqueue_dma source(%dma_start3A_551 : memref<64x128xf32, #tpu.memory_space<vmem_shared>>) target(%dma_start3A_547 : memref<64x128xf32, #tpu.memory_space<hbm>>) target_semaphore(%arg25 : memref<!tpu.dma_semaphore, #tpu.memory_space<semaphore_mem>>)
      } else {
      }
      %lt3A_468 = arith.constant 400 : i32
      %lt3A_469 = arith.cmpi slt, %sub3A_462, %lt3A_468 : i32
      %convert_element_type3A_470 = arith.extui %lt3A_469 : i1 to i32
      %cond3A_471 = arith.constant 0 : i32
      %cond3A_472 = arith.cmpi ne, %convert_element_type3A_470, %cond3A_471 : i32
      scf.if %cond3A_472 {
        %mul3A_522 = arith.constant 64 : i32
        %mul3A_523 = arith.muli %sub3A_462, %mul3A_522 : i32
        %dma_start3A_524 = arith.constant 5 : i32
        %dma_start3A_525 = arith.constant 0 : i32
        %dma_start3A_526 = arith.constant 0 : i32
        %dma_start3A_527 = tpu.memref_slice %arg6[%dma_start3A_524, %dma_start3A_525, %dma_start3A_526] : memref<8x64x128xf32, #tpu.memory_space<vmem>> -> memref<1x64x128xf32, #tpu.memory_space<vmem>>
        %dma_start3A_528 = tpu.memref_squeeze %dma_start3A_527 : memref<1x64x128xf32, #tpu.memory_space<vmem>> -> memref<64x128xf32, #tpu.memory_space<vmem>>
        %dma_start3A_529 = tpu.memref_slice %arg5[%mul3A_523] : memref<25600xi32, #tpu.memory_space<vmem>> -> memref<64xi32, #tpu.memory_space<vmem>>
        %dma_start3A_530 = arith.constant 0 : i32
        %dma_start3A_531 = arith.constant 0 : i32
        %dma_start3A_532 = tpu.memref_slice %arg3[%dma_start3A_530, %dma_start3A_531] : memref<100000x128xf32, #tpu.memory_space<hbm>> -> memref<100000x128xf32, #tpu.memory_space<hbm>>
        tpu.enqueue_indirect_dma source(%dma_start3A_532 : memref<100000x128xf32, #tpu.memory_space<hbm>>) target(%dma_start3A_528 : memref<64x128xf32, #tpu.memory_space<vmem>>) offsets(%dma_start3A_529 : memref<64xi32, #tpu.memory_space<vmem>>) semaphore(%arg13 : memref<!tpu.dma_semaphore, #tpu.memory_space<semaphore_mem>>)
      } else {
      }
      %add3A_473 = arith.constant 7 : i32
      %add3A_474 = arith.addi %add3A_134, %add3A_473 : i32
      %dma_wait3A_475 = arith.constant 7 : i32
      %dma_wait3A_476 = arith.constant 0 : i32
      %dma_wait3A_477 = arith.constant 0 : i32
      %dma_wait3A_478 = tpu.memref_slice %arg6[%dma_wait3A_475, %dma_wait3A_476, %dma_wait3A_477] : memref<8x64x128xf32, #tpu.memory_space<vmem>> -> memref<1x64x128xf32, #tpu.memory_space<vmem>>
      %dma_wait3A_479 = tpu.memref_squeeze %dma_wait3A_478 : memref<1x64x128xf32, #tpu.memory_space<vmem>> -> memref<64x128xf32, #tpu.memory_space<vmem>>
      %dma_wait3A_480 = arith.constant 0 : i32
      %dma_wait3A_481 = tpu.memref_slice %arg5[%dma_wait3A_480] : memref<25600xi32, #tpu.memory_space<vmem>> -> memref<64xi32, #tpu.memory_space<vmem>>
      %dma_wait3A_482 = arith.constant 0 : i32
      %dma_wait3A_483 = arith.constant 0 : i32
      %dma_wait3A_484 = tpu.memref_slice %arg3[%dma_wait3A_482, %dma_wait3A_483] : memref<100000x128xf32, #tpu.memory_space<hbm>> -> memref<100000x128xf32, #tpu.memory_space<hbm>>
      tpu.wait_indirect_dma semaphore(%arg15 : memref<!tpu.dma_semaphore, #tpu.memory_space<semaphore_mem>>) src(%dma_wait3A_484 : memref<100000x128xf32, #tpu.memory_space<hbm>>) dst(%dma_wait3A_479 : memref<64x128xf32, #tpu.memory_space<vmem>>)
      %ge3A_485 = arith.constant 4 : i32
      %ge3A_486 = arith.cmpi sge, %add3A_474, %ge3A_485 : i32
      %convert_element_type3A_487 = arith.extui %ge3A_486 : i1 to i32
      %cond3A_488 = arith.constant 0 : i32
      %cond3A_489 = arith.cmpi ne, %convert_element_type3A_487, %cond3A_488 : i32
      scf.if %cond3A_489 {
        %dma_wait3A_522 = arith.constant 3 : i32
        %dma_wait3A_523 = arith.constant 0 : i32
        %dma_wait3A_524 = tpu.memref_slice %arg4[%mul3A_2, %dma_wait3A_523] : memref<819200x128xf32, #tpu.memory_space<hbm>> -> memref<64x128xf32, #tpu.memory_space<hbm>>
        %dma_wait3A_525 = arith.constant 0 : i32
        %dma_wait3A_526 = arith.constant 0 : i32
        %dma_wait3A_527 = tpu.memref_slice %arg7[%arg1, %dma_wait3A_522, %dma_wait3A_525, %dma_wait3A_526] : memref<16x4x64x128xf32, #tpu.memory_space<vmem_shared>> -> memref<1x1x64x128xf32, #tpu.memory_space<vmem_shared>>
        %dma_wait3A_528 = tpu.memref_squeeze %dma_wait3A_527 : memref<1x1x64x128xf32, #tpu.memory_space<vmem_shared>> -> memref<64x128xf32, #tpu.memory_space<vmem_shared>>
        tpu.wait_dma2 semaphore(%arg27 : memref<!tpu.dma_semaphore, #tpu.memory_space<semaphore_mem>>) src(%dma_wait3A_528 : memref<64x128xf32, #tpu.memory_space<vmem_shared>>) dst(%dma_wait3A_524 : memref<64x128xf32, #tpu.memory_space<hbm>>)
      } else {
      }
      %dma_start3A_490 = arith.constant 7 : i32
      %dma_start3A_491 = arith.constant 3 : i32
      %dma_start3A_492 = arith.constant 0 : i32
      %dma_start3A_493 = arith.constant 0 : i32
      %dma_start3A_494 = tpu.memref_slice %arg6[%dma_start3A_490, %dma_start3A_492, %dma_start3A_493] : memref<8x64x128xf32, #tpu.memory_space<vmem>> -> memref<1x64x128xf32, #tpu.memory_space<vmem>>
      %dma_start3A_495 = tpu.memref_squeeze %dma_start3A_494 : memref<1x64x128xf32, #tpu.memory_space<vmem>> -> memref<64x128xf32, #tpu.memory_space<vmem>>
      %dma_start3A_496 = arith.constant 0 : i32
      %dma_start3A_497 = arith.constant 0 : i32
      %dma_start3A_498 = tpu.memref_slice %arg7[%arg1, %dma_start3A_491, %dma_start3A_496, %dma_start3A_497] : memref<16x4x64x128xf32, #tpu.memory_space<vmem_shared>> -> memref<1x1x64x128xf32, #tpu.memory_space<vmem_shared>>
      %dma_start3A_499 = tpu.memref_squeeze %dma_start3A_498 : memref<1x1x64x128xf32, #tpu.memory_space<vmem_shared>> -> memref<64x128xf32, #tpu.memory_space<vmem_shared>>
      %dma_start3A_500 = arith.constant 0 : i32
      %dma_start3A_501 = arith.constant 0 : i32
      %dma_start3A_502 = tpu.memref_slice %arg7[%arg1, %dma_start3A_491, %dma_start3A_500, %dma_start3A_501] : memref<16x4x64x128xf32, #tpu.memory_space<vmem_shared>> -> memref<1x1x64x128xf32, #tpu.memory_space<vmem_shared>>
      %dma_start3A_503 = tpu.memref_squeeze %dma_start3A_502 : memref<1x1x64x128xf32, #tpu.memory_space<vmem_shared>> -> memref<64x128xf32, #tpu.memory_space<vmem_shared>>
      %dma_start3A_504 = arith.constant 0 : i32
      %dma_start3A_505 = arith.constant 0 : i32
      %dma_start3A_506 = tpu.memref_slice %arg6[%dma_start3A_490, %dma_start3A_504, %dma_start3A_505] : memref<8x64x128xf32, #tpu.memory_space<vmem>> -> memref<1x64x128xf32, #tpu.memory_space<vmem>>
      %dma_start3A_507 = tpu.memref_squeeze %dma_start3A_506 : memref<1x64x128xf32, #tpu.memory_space<vmem>> -> memref<64x128xf32, #tpu.memory_space<vmem>>
      tpu.enqueue_dma source(%dma_start3A_507 : memref<64x128xf32, #tpu.memory_space<vmem>>) target(%dma_start3A_503 : memref<64x128xf32, #tpu.memory_space<vmem_shared>>) target_semaphore(%arg23 : memref<!tpu.dma_semaphore, #tpu.memory_space<semaphore_mem>>)
      %add3A_508 = arith.constant 8 : i32
      %add3A_509 = arith.addi %add3A_474, %add3A_508 : i32
      %sub3A_510 = arith.constant 1 : i32
      %sub3A_511 = arith.subi %add3A_509, %sub3A_510 : i32
      %ge3A_512 = arith.constant 1 : i32
      %ge3A_513 = arith.cmpi sge, %add3A_474, %ge3A_512 : i32
      %convert_element_type3A_514 = arith.extui %ge3A_513 : i1 to i32
      %cond3A_515 = arith.constant 0 : i32
      %cond3A_516 = arith.cmpi ne, %convert_element_type3A_514, %cond3A_515 : i32
      scf.if %cond3A_516 {
        %dma_wait3A_522 = arith.constant 6 : i32
        %dma_wait3A_523 = arith.constant 2 : i32
        %dma_wait3A_524 = arith.constant 0 : i32
        %dma_wait3A_525 = arith.constant 0 : i32
        %dma_wait3A_526 = tpu.memref_slice %arg6[%dma_wait3A_522, %dma_wait3A_524, %dma_wait3A_525] : memref<8x64x128xf32, #tpu.memory_space<vmem>> -> memref<1x64x128xf32, #tpu.memory_space<vmem>>
        %dma_wait3A_527 = tpu.memref_squeeze %dma_wait3A_526 : memref<1x64x128xf32, #tpu.memory_space<vmem>> -> memref<64x128xf32, #tpu.memory_space<vmem>>
        %dma_wait3A_528 = arith.constant 0 : i32
        %dma_wait3A_529 = arith.constant 0 : i32
        %dma_wait3A_530 = tpu.memref_slice %arg7[%arg1, %dma_wait3A_523, %dma_wait3A_528, %dma_wait3A_529] : memref<16x4x64x128xf32, #tpu.memory_space<vmem_shared>> -> memref<1x1x64x128xf32, #tpu.memory_space<vmem_shared>>
        %dma_wait3A_531 = tpu.memref_squeeze %dma_wait3A_530 : memref<1x1x64x128xf32, #tpu.memory_space<vmem_shared>> -> memref<64x128xf32, #tpu.memory_space<vmem_shared>>
        %dma_wait3A_532 = arith.constant 0 : i32
        %dma_wait3A_533 = arith.constant 0 : i32
        %dma_wait3A_534 = tpu.memref_slice %arg7[%arg1, %dma_wait3A_523, %dma_wait3A_532, %dma_wait3A_533] : memref<16x4x64x128xf32, #tpu.memory_space<vmem_shared>> -> memref<1x1x64x128xf32, #tpu.memory_space<vmem_shared>>
        %dma_wait3A_535 = tpu.memref_squeeze %dma_wait3A_534 : memref<1x1x64x128xf32, #tpu.memory_space<vmem_shared>> -> memref<64x128xf32, #tpu.memory_space<vmem_shared>>
        %dma_wait3A_536 = arith.constant 0 : i32
        %dma_wait3A_537 = arith.constant 0 : i32
        %dma_wait3A_538 = tpu.memref_slice %arg6[%dma_wait3A_522, %dma_wait3A_536, %dma_wait3A_537] : memref<8x64x128xf32, #tpu.memory_space<vmem>> -> memref<1x64x128xf32, #tpu.memory_space<vmem>>
        %dma_wait3A_539 = tpu.memref_squeeze %dma_wait3A_538 : memref<1x64x128xf32, #tpu.memory_space<vmem>> -> memref<64x128xf32, #tpu.memory_space<vmem>>
        tpu.wait_dma2 semaphore(%arg22 : memref<!tpu.dma_semaphore, #tpu.memory_space<semaphore_mem>>) src(%dma_wait3A_539 : memref<64x128xf32, #tpu.memory_space<vmem>>) dst(%dma_wait3A_535 : memref<64x128xf32, #tpu.memory_space<vmem_shared>>)
        %sub3A_540 = arith.constant 1 : i32
        %sub3A_541 = arith.subi %add3A_474, %sub3A_540 : i32
        %mul3A_542 = arith.constant 64 : i32
        %mul3A_543 = arith.muli %sub3A_541, %mul3A_542 : i32
        %add3A_544 = arith.addi %mul3A_2, %mul3A_543 : i32
        %dma_start3A_545 = arith.constant 2 : i32
        %dma_start3A_546 = arith.constant 0 : i32
        %dma_start3A_547 = tpu.memref_slice %arg4[%add3A_544, %dma_start3A_546] : memref<819200x128xf32, #tpu.memory_space<hbm>> -> memref<64x128xf32, #tpu.memory_space<hbm>>
        %dma_start3A_548 = arith.constant 0 : i32
        %dma_start3A_549 = arith.constant 0 : i32
        %dma_start3A_550 = tpu.memref_slice %arg7[%arg1, %dma_start3A_545, %dma_start3A_548, %dma_start3A_549] : memref<16x4x64x128xf32, #tpu.memory_space<vmem_shared>> -> memref<1x1x64x128xf32, #tpu.memory_space<vmem_shared>>
        %dma_start3A_551 = tpu.memref_squeeze %dma_start3A_550 : memref<1x1x64x128xf32, #tpu.memory_space<vmem_shared>> -> memref<64x128xf32, #tpu.memory_space<vmem_shared>>
        tpu.enqueue_dma source(%dma_start3A_551 : memref<64x128xf32, #tpu.memory_space<vmem_shared>>) target(%dma_start3A_547 : memref<64x128xf32, #tpu.memory_space<hbm>>) target_semaphore(%arg26 : memref<!tpu.dma_semaphore, #tpu.memory_space<semaphore_mem>>)
      } else {
      }
      %lt3A_517 = arith.constant 400 : i32
      %lt3A_518 = arith.cmpi slt, %sub3A_511, %lt3A_517 : i32
      %convert_element_type3A_519 = arith.extui %lt3A_518 : i1 to i32
      %cond3A_520 = arith.constant 0 : i32
      %cond3A_521 = arith.cmpi ne, %convert_element_type3A_519, %cond3A_520 : i32
      scf.if %cond3A_521 {
        %mul3A_522 = arith.constant 64 : i32
        %mul3A_523 = arith.muli %sub3A_511, %mul3A_522 : i32
        %dma_start3A_524 = arith.constant 6 : i32
        %dma_start3A_525 = arith.constant 0 : i32
        %dma_start3A_526 = arith.constant 0 : i32
        %dma_start3A_527 = tpu.memref_slice %arg6[%dma_start3A_524, %dma_start3A_525, %dma_start3A_526] : memref<8x64x128xf32, #tpu.memory_space<vmem>> -> memref<1x64x128xf32, #tpu.memory_space<vmem>>
        %dma_start3A_528 = tpu.memref_squeeze %dma_start3A_527 : memref<1x64x128xf32, #tpu.memory_space<vmem>> -> memref<64x128xf32, #tpu.memory_space<vmem>>
        %dma_start3A_529 = tpu.memref_slice %arg5[%mul3A_523] : memref<25600xi32, #tpu.memory_space<vmem>> -> memref<64xi32, #tpu.memory_space<vmem>>
        %dma_start3A_530 = arith.constant 0 : i32
        %dma_start3A_531 = arith.constant 0 : i32
        %dma_start3A_532 = tpu.memref_slice %arg3[%dma_start3A_530, %dma_start3A_531] : memref<100000x128xf32, #tpu.memory_space<hbm>> -> memref<100000x128xf32, #tpu.memory_space<hbm>>
        tpu.enqueue_indirect_dma source(%dma_start3A_532 : memref<100000x128xf32, #tpu.memory_space<hbm>>) target(%dma_start3A_528 : memref<64x128xf32, #tpu.memory_space<vmem>>) offsets(%dma_start3A_529 : memref<64xi32, #tpu.memory_space<vmem>>) semaphore(%arg14 : memref<!tpu.dma_semaphore, #tpu.memory_space<semaphore_mem>>)
      } else {
      }
    }
    %scan3A_75 = arith.constant 50 : i32
    %dma_wait3A = arith.constant 7 : i32
    %dma_wait3A_76 = arith.constant 3 : i32
    %dma_wait3A_77 = arith.constant 0 : i32
    %dma_wait3A_78 = arith.constant 0 : i32
    %dma_wait3A_79 = tpu.memref_slice %arg6[%dma_wait3A, %dma_wait3A_77, %dma_wait3A_78] : memref<8x64x128xf32, #tpu.memory_space<vmem>> -> memref<1x64x128xf32, #tpu.memory_space<vmem>>
    %dma_wait3A_80 = tpu.memref_squeeze %dma_wait3A_79 : memref<1x64x128xf32, #tpu.memory_space<vmem>> -> memref<64x128xf32, #tpu.memory_space<vmem>>
    %dma_wait3A_81 = arith.constant 0 : i32
    %dma_wait3A_82 = arith.constant 0 : i32
    %dma_wait3A_83 = tpu.memref_slice %arg7[%arg1, %dma_wait3A_76, %dma_wait3A_81, %dma_wait3A_82] : memref<16x4x64x128xf32, #tpu.memory_space<vmem_shared>> -> memref<1x1x64x128xf32, #tpu.memory_space<vmem_shared>>
    %dma_wait3A_84 = tpu.memref_squeeze %dma_wait3A_83 : memref<1x1x64x128xf32, #tpu.memory_space<vmem_shared>> -> memref<64x128xf32, #tpu.memory_space<vmem_shared>>
    %dma_wait3A_85 = arith.constant 0 : i32
    %dma_wait3A_86 = arith.constant 0 : i32
    %dma_wait3A_87 = tpu.memref_slice %arg7[%arg1, %dma_wait3A_76, %dma_wait3A_85, %dma_wait3A_86] : memref<16x4x64x128xf32, #tpu.memory_space<vmem_shared>> -> memref<1x1x64x128xf32, #tpu.memory_space<vmem_shared>>
    %dma_wait3A_88 = tpu.memref_squeeze %dma_wait3A_87 : memref<1x1x64x128xf32, #tpu.memory_space<vmem_shared>> -> memref<64x128xf32, #tpu.memory_space<vmem_shared>>
    %dma_wait3A_89 = arith.constant 0 : i32
    %dma_wait3A_90 = arith.constant 0 : i32
    %dma_wait3A_91 = tpu.memref_slice %arg6[%dma_wait3A, %dma_wait3A_89, %dma_wait3A_90] : memref<8x64x128xf32, #tpu.memory_space<vmem>> -> memref<1x64x128xf32, #tpu.memory_space<vmem>>
    %dma_wait3A_92 = tpu.memref_squeeze %dma_wait3A_91 : memref<1x64x128xf32, #tpu.memory_space<vmem>> -> memref<64x128xf32, #tpu.memory_space<vmem>>
    tpu.wait_dma2 semaphore(%arg23 : memref<!tpu.dma_semaphore, #tpu.memory_space<semaphore_mem>>) src(%dma_wait3A_92 : memref<64x128xf32, #tpu.memory_space<vmem>>) dst(%dma_wait3A_88 : memref<64x128xf32, #tpu.memory_space<vmem_shared>>)
    %add3A_93 = arith.constant 25536 : i32
    %add3A_94 = arith.addi %mul3A_2, %add3A_93 : i32
    %dma_start3A_95 = arith.constant 3 : i32
    %dma_start3A_96 = arith.constant 0 : i32
    %dma_start3A_97 = tpu.memref_slice %arg4[%add3A_94, %dma_start3A_96] : memref<819200x128xf32, #tpu.memory_space<hbm>> -> memref<64x128xf32, #tpu.memory_space<hbm>>
    %dma_start3A_98 = arith.constant 0 : i32
    %dma_start3A_99 = arith.constant 0 : i32
    %dma_start3A_100 = tpu.memref_slice %arg7[%arg1, %dma_start3A_95, %dma_start3A_98, %dma_start3A_99] : memref<16x4x64x128xf32, #tpu.memory_space<vmem_shared>> -> memref<1x1x64x128xf32, #tpu.memory_space<vmem_shared>>
    %dma_start3A_101 = tpu.memref_squeeze %dma_start3A_100 : memref<1x1x64x128xf32, #tpu.memory_space<vmem_shared>> -> memref<64x128xf32, #tpu.memory_space<vmem_shared>>
    tpu.enqueue_dma source(%dma_start3A_101 : memref<64x128xf32, #tpu.memory_space<vmem_shared>>) target(%dma_start3A_97 : memref<64x128xf32, #tpu.memory_space<hbm>>) target_semaphore(%arg27 : memref<!tpu.dma_semaphore, #tpu.memory_space<semaphore_mem>>)
    %dma_wait3A_102 = arith.constant 0 : i32
    %dma_wait3A_103 = arith.constant 0 : i32
    %dma_wait3A_104 = tpu.memref_slice %arg4[%mul3A_2, %dma_wait3A_103] : memref<819200x128xf32, #tpu.memory_space<hbm>> -> memref<64x128xf32, #tpu.memory_space<hbm>>
    %dma_wait3A_105 = arith.constant 0 : i32
    %dma_wait3A_106 = arith.constant 0 : i32
    %dma_wait3A_107 = tpu.memref_slice %arg7[%arg1, %dma_wait3A_102, %dma_wait3A_105, %dma_wait3A_106] : memref<16x4x64x128xf32, #tpu.memory_space<vmem_shared>> -> memref<1x1x64x128xf32, #tpu.memory_space<vmem_shared>>
    %dma_wait3A_108 = tpu.memref_squeeze %dma_wait3A_107 : memref<1x1x64x128xf32, #tpu.memory_space<vmem_shared>> -> memref<64x128xf32, #tpu.memory_space<vmem_shared>>
    tpu.wait_dma2 semaphore(%arg24 : memref<!tpu.dma_semaphore, #tpu.memory_space<semaphore_mem>>) src(%dma_wait3A_108 : memref<64x128xf32, #tpu.memory_space<vmem_shared>>) dst(%dma_wait3A_104 : memref<64x128xf32, #tpu.memory_space<hbm>>)
    %dma_wait3A_109 = arith.constant 1 : i32
    %dma_wait3A_110 = arith.constant 0 : i32
    %dma_wait3A_111 = tpu.memref_slice %arg4[%mul3A_2, %dma_wait3A_110] : memref<819200x128xf32, #tpu.memory_space<hbm>> -> memref<64x128xf32, #tpu.memory_space<hbm>>
    %dma_wait3A_112 = arith.constant 0 : i32
    %dma_wait3A_113 = arith.constant 0 : i32
    %dma_wait3A_114 = tpu.memref_slice %arg7[%arg1, %dma_wait3A_109, %dma_wait3A_112, %dma_wait3A_113] : memref<16x4x64x128xf32, #tpu.memory_space<vmem_shared>> -> memref<1x1x64x128xf32, #tpu.memory_space<vmem_shared>>
    %dma_wait3A_115 = tpu.memref_squeeze %dma_wait3A_114 : memref<1x1x64x128xf32, #tpu.memory_space<vmem_shared>> -> memref<64x128xf32, #tpu.memory_space<vmem_shared>>
    tpu.wait_dma2 semaphore(%arg25 : memref<!tpu.dma_semaphore, #tpu.memory_space<semaphore_mem>>) src(%dma_wait3A_115 : memref<64x128xf32, #tpu.memory_space<vmem_shared>>) dst(%dma_wait3A_111 : memref<64x128xf32, #tpu.memory_space<hbm>>)
    %dma_wait3A_116 = arith.constant 2 : i32
    %dma_wait3A_117 = arith.constant 0 : i32
    %dma_wait3A_118 = tpu.memref_slice %arg4[%mul3A_2, %dma_wait3A_117] : memref<819200x128xf32, #tpu.memory_space<hbm>> -> memref<64x128xf32, #tpu.memory_space<hbm>>
    %dma_wait3A_119 = arith.constant 0 : i32
    %dma_wait3A_120 = arith.constant 0 : i32
    %dma_wait3A_121 = tpu.memref_slice %arg7[%arg1, %dma_wait3A_116, %dma_wait3A_119, %dma_wait3A_120] : memref<16x4x64x128xf32, #tpu.memory_space<vmem_shared>> -> memref<1x1x64x128xf32, #tpu.memory_space<vmem_shared>>
    %dma_wait3A_122 = tpu.memref_squeeze %dma_wait3A_121 : memref<1x1x64x128xf32, #tpu.memory_space<vmem_shared>> -> memref<64x128xf32, #tpu.memory_space<vmem_shared>>
    tpu.wait_dma2 semaphore(%arg26 : memref<!tpu.dma_semaphore, #tpu.memory_space<semaphore_mem>>) src(%dma_wait3A_122 : memref<64x128xf32, #tpu.memory_space<vmem_shared>>) dst(%dma_wait3A_118 : memref<64x128xf32, #tpu.memory_space<hbm>>)
    %dma_wait3A_123 = arith.constant 3 : i32
    %dma_wait3A_124 = arith.constant 0 : i32
    %dma_wait3A_125 = tpu.memref_slice %arg4[%mul3A_2, %dma_wait3A_124] : memref<819200x128xf32, #tpu.memory_space<hbm>> -> memref<64x128xf32, #tpu.memory_space<hbm>>
    %dma_wait3A_126 = arith.constant 0 : i32
    %dma_wait3A_127 = arith.constant 0 : i32
    %dma_wait3A_128 = tpu.memref_slice %arg7[%arg1, %dma_wait3A_123, %dma_wait3A_126, %dma_wait3A_127] : memref<16x4x64x128xf32, #tpu.memory_space<vmem_shared>> -> memref<1x1x64x128xf32, #tpu.memory_space<vmem_shared>>
    %dma_wait3A_129 = tpu.memref_squeeze %dma_wait3A_128 : memref<1x1x64x128xf32, #tpu.memory_space<vmem_shared>> -> memref<64x128xf32, #tpu.memory_space<vmem_shared>>
    tpu.wait_dma2 semaphore(%arg27 : memref<!tpu.dma_semaphore, #tpu.memory_space<semaphore_mem>>) src(%dma_wait3A_129 : memref<64x128xf32, #tpu.memory_space<vmem_shared>>) dst(%dma_wait3A_125 : memref<64x128xf32, #tpu.memory_space<hbm>>)
    return
  }
}

</mosaic_0001>

<sc_bundles>
// kernel: kernel.3.cloned.1.call-start
scs
__scs_entry_jumppad:
0x0: {  	(pc) =	sbr.rel $0x88, $3  }
0x1: {  	(tag) =	ssettag $0x0;
	lr =	simm.s32 $0x1  }
0x2: {  	[smem:$0x3F9F] =	sst lr;
	_ =	strace $0xD0000000  }
0x3: {  	_ = 	snop  }
0x4: {  	_ = 	snop  }
0x5: {  	_ = 	snop  }
0x6: {  	_ = 	snop  }
0x7: {  	_ = 	snop  }
__scs_overlays_trampoline_lowered:
0x8: {  	[smem:$0x3FAE] =	sst s0  }
0x9: {  	[smem:$0x3FAF] =	sst s1  }
0xa: {  	[smem:$0x3FB0] =	sst s2  }
0xb: {  	[smem:$0x3FB1] =	sst s3  }
0xc: {  	[smem:$0x3FB2] =	sst s4  }
0xd: {  	[smem:$0x3FB3] =	sst s5  }
0xe: {  	[smem:$0x3FB4] =	sst s6  }
0xf: {  	[smem:$0x3FB5] =	sst s7  }
0x10: {  	[smem:$0x3FB6] =	sst s8  }
0x11: {  	[smem:$0x3FB7] =	sst s9;
	s0 =	simm.s32 @!p0 $0x0  }
0x12: {  	s1 =	sld [smem:$0x3F9D];
	s0 =	simm.s32 @p0 $0x1  }
0x13: {  	[smem:$0x3FB8] =	sst s0;
	s0 =	simm.s32 @!p1 $0x0  }
0x14: {  	s2 =	sld [smem:$0x3F9C];
	s0 =	simm.s32 @p1 $0x1  }
0x15: {  	[smem:$0x3FB9] =	sst s0;
	s0 =	simm.s32 @!p2 $0x0  }
0x16: {  	s3 =	sld [smem:$0x3FDB];
	s0 =	simm.s32 @p2 $0x1  }
0x17: {  	s4 =	simm.s32 $0x1BF5;
	[smem:$0x3FBB] =	sst s0  }
0x18: {  	s0 =	sld [smem:$0x3F9E];
	_ =	swait.ge [sflag:s4], $0x0  }
0x19: {  	s7 =	sld [smem:$0x3F9F]  }
0x1a: {  	s8 =	sadd.s32 $0xFFFFE003, lr  }
0x1b: {  	s9 =	sadd.s32 $0xFFFFFEF7, lr;
	s5 =	simm.s32 $0xFFFFFFFF;
	p2 =	slt.u32 s8, $0xFFFFF086  }
0x1c: {  	p1 =	slt.u32 s9, $0xF7A;
	s5 =	simm.s32 @!p2 $0x0  }
0x1d: {  	s5 =	simm.s32 @p1 $0x1;
	p0 =	seq.s32 s7, s2  }
0x1e: {  	s7 =	smul.u32 @!p0 $0xF7A, s2;
	p2 =	seq.s32 @!p0 s5, $0x0  }
0x1f: {  	s9 =	smul.u32 $0xF7A, s1;
	s8 =	simm.s32 @!p0 $0x1BF5;
	p2 =	por !p2, p0  }
0x20: {  	[sflag:s8] =	ssyncset.s32 @!p0 $0xFFFFF086;
	s6 =	sadd.s32 @!p0 s3, s7;
	s7 =	simm.s32 @!p0 $0x108  }
0x21: {  	s3 =	sadd.s32 s3, s9;
	s6 =	sadd.s32 @!p0 $0x88, s6;
	s7 =	simm.s32 @p2 $0x1082  }
0x22: {  	[simem:s7], [sflag:s8] =	dma.local @!p0 [hbm:s6], $0xF7A  }
0x23: {  	s9 =	sor.u32 $0xD0000000, s2;
	s6 =	simm.s32 $0x108;
	_ =	swait.ge @!p0 [sflag:s8], $0x0  }
0x24: {  	s3 =	sadd.s32 $0x88, s3;
	s6 =	simm.s32 @!p1 $0x1082;
	[sflag:s4] =	ssyncset.s32 $0xFFFFF086  }
0x25: {  	[simem:s6], [sflag:s4] =	dma.local [hbm:s3], $0xF7A  }
0x26: {  	[smem:$0x3F9F] =	sst s1;
	(tag) =	ssettag s2;
	_ =	strace s9  }
0x27: {  	s1 =	sld [smem:$0x3FAF]  }
0x28: {  	s2 =	sld [smem:$0x3FB0]  }
0x29: {  	s4 =	sld [smem:$0x3FB2]  }
0x2a: {  	p0 =	seq.s32 s5, $0x0;
	s5 =	sld [smem:$0x3FB3]  }
0x2b: {  	s6 =	sld [smem:$0x3FB4]  }
0x2c: {  	s7 =	sld [smem:$0x3FB5]  }
0x2d: {  	s3 =	simm.s32 $0x108;
	s8 =	sld [smem:$0x3FB6]  }
0x2e: {  	s3 =	simm.s32 @!p0 $0x1082;
	s9 =	sld [smem:$0x3FB7]  }
0x2f: {  	lr =	sadd.s32 s0, s3;
	s0 =	sld [smem:$0x3FAE]  }
0x30: {  	s3 =	sld [smem:$0x3FB1]  }
0x31: {  	[smem:$0x3FBA] =	sst s10  }
0x32: {  	s10 =	sld [smem:$0x3FB8];
	_ =	sdelay $0x3  }
0x33: {  	p0 =	seq.s32 s10, $0x1;
	s10 =	sld [smem:$0x3FBA];
	_ =	sdelay $0x3  }
0x34: {  	[smem:$0x3FBA] =	sst s10  }
0x35: {  	s10 =	sld [smem:$0x3FB9];
	_ =	sdelay $0x3  }
0x36: {  	p1 =	seq.s32 s10, $0x1;
	s10 =	sld [smem:$0x3FBA];
	_ =	sdelay $0x3  }
0x37: {  	[smem:$0x3FBA] =	sst s10  }
0x38: {  	s10 =	sld [smem:$0x3FBB]  }
0x39: {  	_ = 	snop;
	(pc) =	sbr.ind lr, $3  }
0x3a: {  	_ = 	snop  }
0x3b: {  	_ = 	snop  }
0x3c: {  	p2 =	seq.s32 s10, $0x1;
	s10 =	sld [smem:$0x3FBA]  }
0x3d: {  	_ =	shalt  }
0x3e: {  	_ =	shalt  }
0x3f: {  	_ =	shalt  }
0x40: {  	_ =	shalt  }
0x41: {  	_ =	shalt  }
0x42: {  	_ =	shalt  }
0x43: {  	_ =	shalt  }
0x44: {  	_ =	shalt  }
0x45: {  	_ =	shalt  }
0x46: {  	_ =	shalt  }
0x47: {  	_ =	shalt  }
0x48: {  	_ =	shalt  }
0x49: {  	_ =	shalt  }
0x4a: {  	_ =	shalt  }
0x4b: {  	_ =	shalt  }
0x4c: {  	_ =	shalt  }
0x4d: {  	_ =	shalt  }
0x4e: {  	_ =	shalt  }
0x4f: {  	_ =	shalt  }
0x50: {  	_ =	shalt  }
0x51: {  	_ =	shalt  }
0x52: {  	_ =	shalt  }
0x53: {  	_ =	shalt  }
0x54: {  	_ =	shalt  }
0x55: {  	_ =	shalt  }
0x56: {  	_ =	shalt  }
0x57: {  	_ =	shalt  }
0x58: {  	_ =	shalt  }
0x59: {  	_ =	shalt  }
0x5a: {  	_ =	shalt  }
0x5b: {  	_ =	shalt  }
0x5c: {  	_ =	shalt  }
0x5d: {  	_ =	shalt  }
0x5e: {  	_ =	shalt  }
0x5f: {  	_ =	shalt  }
0x60: {  	_ =	shalt  }
0x61: {  	_ =	shalt  }
0x62: {  	_ =	shalt  }
0x63: {  	_ =	shalt  }
0x64: {  	_ =	shalt  }
0x65: {  	_ =	shalt  }
0x66: {  	_ =	shalt  }
0x67: {  	_ =	shalt  }
0x68: {  	_ =	shalt  }
0x69: {  	_ =	shalt  }
0x6a: {  	_ =	shalt  }
0x6b: {  	_ =	shalt  }
0x6c: {  	_ =	shalt  }
0x6d: {  	_ =	shalt  }
0x6e: {  	_ =	shalt  }
0x6f: {  	_ =	shalt  }
0x70: {  	_ =	shalt  }
0x71: {  	_ =	shalt  }
0x72: {  	_ =	shalt  }
0x73: {  	_ =	shalt  }
0x74: {  	_ =	shalt  }
0x75: {  	_ =	shalt  }
0x76: {  	_ =	shalt  }
0x77: {  	_ =	shalt  }
0x78: {  	_ =	shalt  }
0x79: {  	_ =	shalt  }
0x7a: {  	_ =	shalt  }
0x7b: {  	_ =	shalt  }
0x7c: {  	_ =	shalt  }
0x7d: {  	_ =	shalt  }
0x7e: {  	_ =	shalt  }
0x7f: {  	_ =	shalt  }
0x80: {  	_ =	shalt  }
0x81: {  	_ =	shalt  }
0x82: {  	_ =	shalt  }
0x83: {  	_ =	shalt  }
0x84: {  	_ =	shalt  }
0x85: {  	_ =	shalt  }
0x86: {  	_ =	shalt  }
0x87: {  	_ =	shalt  }
.Lfunc_end0:
.L_simem_size_0:
called_computation_lowered:
.L_overlay_start_0:
0x88: {  	s2 =	sld [smem:$0x3FD9]  }
0x89: {  	s3 =	sld [smem:$0x3FFE];
	_ =	sdelay $0x1  }
0x8a: {  	s1 =	srdreg.scid  }
0x8b: {  	s0 =	sand.u32 $0x1, s1  }
0x8c: {  	s17 =	sshll.u32 s0, $0xA;
	s2 =	sadd.s32 s3, s2  }
0x8d: {  	s2 =	sadd.s32 s2, s17  }
0x8e: {  	[smem:$0x3FC6] =	sst s2  }
0x8f: {  	_ = 	snop  }
0x90: {  	s2 =	sld [smem:$0x3FC8]  }
0x91: {  	s18 =	sld [smem:$0x3FD0];
	(tm) =	ssettm $0x1  }
0x92: {  	s4 =	sld [smem:$0x3FFB];
	_ =	sdelay $0x3  }
0x93: {  	_ =	strace s4  }
0x94: {  	s4 =	sld [smem:$0x3FFC];
	_ =	sdelay $0x3  }
0x95: {  	_ =	strace s4  }
0x96: {  	s4 =	sld [smem:$0x3FFD];
	_ =	sdelay $0x3  }
0x97: {  	_ =	strace s4  }
0x98: {  	_ =	strace $0x8FFFFFFF  }
0x99: {  	s19 =	sld [smem:$0x3FDB];
	_ =	sdelay $0x1  }
0x9a: {  	s5 =	simm.s32 $_scs_section_size  }
0x9b: {  	s6 =	simm.s32 $_size__tile_overlayer_lowered;
	s7 =	simm.s32 $_tile_overlayer_lowered  }
0x9c: {  	s22 =	simm.s32 $0x1BFF;
	s21 =	sshll.u32 s7, $0x1;
	s4 =	sadd.s32 s5, s19  }
0x9d: {  	s8 =	simm.s32 $0x0;
	s20 =	sshll.u32 s6, $0x1;
	s6 =	sadd.s32 s21, s4  }
0x9e: {  	[timem:s8], [sflag:s22] =	dma.local [hbm:s6], s20  }
0x9f: {  	_ =	swait.ge [sflag:s22], s20  }
0xa0: {  	s5 =	ssub.s32 $0x0, s20;
	[sflag:s22] =	ssyncset.done $0x0  }
0xa1: {  	[sflag:s22] =	ssyncadd.s32 s5;
	_ =	sdelay $0x1  }
0xa2: {  	s23 =	simm.s32 $0x1B8B  }
0xa3: {  	_ =	swait.ge [sflag:s23], $0x1  }
0xa4: {  	[sflag:s23] =	ssyncset.done $0x0  }
0xa5: {  	s25 =	simm.s32 $0x1B8E;
	s24 =	sld [smem:$0x3FFE];
	[sflag:s23] =	ssyncadd.s32 $0xFFFFFFFF  }
0xa6: {  	s26 =	simm.s32 $execute0_lowered;
	[smem:$0x3FD2] =	sst s25  }
0xa7: {  	s6 =	sshll.u32 s26, $0x1;
	_ =	strace $0x80000046;
	[dreg:$0x1] =	wrdreg $0xFFFFFFFF  }
0xa8: {  	s28 =	simm.s32 $_size_execute0_lowered;
	s4 =	sadd.s32 s4, s6;
	[dreg:$0x0] =	wrdreg $0x0  }
0xa9: {  	s6 =	sshll.u32 s28, $0x1;
	[dreg:$0x2] =	wrdreg s4  }
0xaa: {  	[dreg:$0x3] =	wrdreg s6  }
0xab: {  	[dreg:$0x4] =	wrdreg $0xC0  }
0xac: {  	_ =	task [dreg:s8], $0x5FFFF  }
0xad: {  	[dreg:$0x1] =	wrdreg $0xFFFFFFFF  }
0xae: {  	[dreg:$0x0] =	wrdreg $0x60  }
0xaf: {  	[dreg:$0x2] =	wrdreg s24  }
0xb0: {  	[dreg:$0x3] =	wrdreg s2  }
0xb1: {  	[dreg:$0x4] =	wrdreg s18  }
0xb2: {  	[dreg:$0x5] =	wrdreg $0x164000  }
0xb3: {  	[dreg:$0x6] =	wrdreg $0x9  }
0xb4: {  	_ =	task.clear_ibuf [dreg:s8], $0x7FFFF;
	_ =	strace $0x90000046  }
0xb5: {  	s29 =	simm.s32 $0x9;
	_ =	strace $0x80000048  }
0xb6: {  	_ =	swait.ge [sflag:s29], $0x1  }
0xb7: {  	[sflag:s29] =	ssyncadd.s32 $0xFFFFFFFF  }
0xb8: {  	_ =	strace $0x90000048  }
0xb9: {  	_ =	sfence  }
0xba: {  	s30 =	sld [smem:$0x0];
	_ =	sdelay $0x2  }
0xbb: {  	s31 =	sshll.u32 s1, $0xD;
	s1 =	sshrl.u32 s1, $0x2  }
0xbc: {  	s3 =	sand.u32 $0x4000, s31;
	s1 =	sadd.s32 s1, s30  }
0xbd: {  	s0 =	sor.u32 s3, s0;
	s1 =	sshll.u32 s1, $0x11  }
0xbe: {  	s0 =	sor.u32 s1, s0  }
0xbf: {  	s0 =	sadd.s32 $0x8F2B, s0  }
0xc0: {  	[sflag:s0] =	ssyncadd.remote.s32 $0x1  }
0xc1: {  	_ =	sfence.sel $0xFFFF  }
0xc2: {  	[dreg:$0x0] =	wrdreg $0xFFFFFFFF;
	(pc) =	sbr.abs _section_cstart, $3  }
0xc3: {  	[dreg:$0x1] =	wrdreg $0xFFFFFFFF  }
0xc4: {  	_ =	task.clear_ibuf [dreg:s8], $0x2FFFF;
	_ =	strace $0x9FFFFFFF  }
0xc5: {  	(tm) =	ssettm $0x7FFFFFFF  }
tec
execute0_lowered:
.L_overlay_start_1:
0x0: {  	(tag) =	ssettag $0x1  }
0x1: {  	s0 =	rddreg [dreg:$0x0]  }
0x2: {  	s2 =	srdreg.scid;
	s1 =	rddreg [dreg:$0x1]  }
0x3: {  	s10 =	stileid.u32;
	s4 =	rddreg [dreg:$0x2]  }
0x4: {  	s5 =	rddreg [dreg:$0x3];
	s7 =	simm.s32 $0x0;
	s28 =	simm.s32 $0x12400  }
0x5: {  	s14 =	simm.s32 $0x6;
	s16 =	simm.s32 $0x12;
	s19 =	simm.s32 $0xD  }
0x6: {  	s17 =	simm.s32 $0xF;
	s2 =	sand.u32 $0x1, s2;
	s8 =	smul.u32 $0x640000, s10  }
0x7: {  	s3 =	sshll.u32 s10, $0x1;
	[smem:$0x7FF] =	sst s7;
	s26 =	smul.u32 $0xC8000, s10  }
0x8: {  	s22 =	sshll.u32 s10, $0xF;
	s3 =	sor.u32 s2, s3;
	s24 =	smul.u32 $0x320000, s2  }
0x9: {  	s20 =	ssub.s32 $0x2, s2;
	_ =	strace $0x80000047;
	s2 =	smul.u32 $0x64000, s2  }
0xa: {  	s5 =	sadd.s32 s22, s5;
	s6 =	smul.u32 $0x6400, s3;
	s21 =	sshrl.u32 s20, $0x1  }
0xb: {  	s3 =	smul.u32 $0x320000, s3;
	s9 =	sadd.s32 $0x2000, s5;
	s10 =	sadd.s32 $0x4000, s5  }
0xc: {  	s7 =	ssub.s32 s20, s21;
	s20 =	simm.s32 $0x13;
	s21 =	simm.s32 $0x7  }
0xd: {  	s6 =	sshrl.u32 s6, $0x3;
	s3 =	sshrl.u32 s3, $0x3;
	s25 =	smax.u32 s7, $0x1  }
0xe: {  	s0 =	sadd.s32 s6, s0;
	s23 =	sadd.s32 s4, s3;
	s6 =	sadd.s32 $0x6000, s5  }
0xf: {  	[dreg:$0x7] =	wrdreg s25;
	s3 =	sadd.s32 s24, s8;
	s24 =	simm.s32 $0x14400  }
0x10: {  	s8 =	simm.s32 $0xC;
	s25 =	simm.s32 $0x8;
	s0 =	sadd.s32 $0x400, s0  }
0x11: {  	s29 =	sor.u32 $0x4000, s3;
	s3 =	sshrl.u32 s3, $0x3;
	[dreg:$0x5] =	wrdreg s0  }
.Ltmp0:
0x12: {  	s0 =	sadd.s32 $0x63C00, s23;
	s7 =	sshrl.u32 s29, $0x3;
	(pc) =	sbr.rel .LBB2_1-.Ltmp0, $4  }
0x13: {  	s31 =	sadd.s32 s3, s4;
	s23 =	simm.s32 $0xE;
	[dreg:$0x6] =	wrdreg s0  }
0x14: {  	s0 =	sadd.s32 s26, s4;
	s30 =	sadd.s32 s7, s4;
	[dreg:$0x9] =	wrdreg s31  }
0x15: {  	s4 =	simm.s32 $0x40;
	s26 =	simm.s32 $0x14;
	s7 =	simm.s32 $0x11  }
0x16: {  	s11 =	sadd.s32 s2, s0;
	[dreg:$0x8] =	wrdreg s30;
	s2 =	simm.s32 $0x0  }
.LBB2_12:
0x17: {  	s0 =	simm.s32 $0x10  }
0x18: {  	_ =	swait.ge [sflag:s0], $0x2000  }
0x19: {  	[sflag:s0] =	ssyncset.done $0x0  }
0x1a: {  	s30 =	rddreg [dreg:$0x6];
	[sflag:s0] =	ssyncadd.s32 $0xFFFFE000  }
0x1b: {  	[hbm:s30], [sflag:s31] =	dma.local [spmem:s22], $0x400  }
0x1c: {  	_ =	swait.ge [sflag:s7], $0x400  }
0x1d: {  	[sflag:s7] =	ssyncset.done $0x0  }
0x1e: {  	[sflag:s7] =	ssyncadd.s32 $0xFFFFFC00  }
0x1f: {  	_ =	swait.ge [sflag:s16], $0x400  }
0x20: {  	[sflag:s16] =	ssyncset.done $0x0  }
0x21: {  	[sflag:s16] =	ssyncadd.s32 $0xFFFFFC00  }
0x22: {  	_ =	swait.ge [sflag:s20], $0x400  }
0x23: {  	[sflag:s20] =	ssyncset.done $0x0  }
0x24: {  	[sflag:s20] =	ssyncadd.s32 $0xFFFFFC00  }
0x25: {  	_ =	swait.ge [sflag:s26], $0x400  }
0x26: {  	s2 =	rddreg [dreg:$0xa]  }
0x27: {  	s31 =	rddreg [dreg:$0x7];
	s2 =	sadd.s32 $0x1, s2  }
0x28: {  	p0 =	sne.s32 s2, s31  }
.Ltmp1:
0x29: {  	_ = 	snop;
	(pc) =	sbr.rel @!p0 .LBB2_13-.Ltmp1, $3  }
0x2a: {  	_ =	sdelay $0x1  }
0x2b: {  	[sflag:s26] =	ssyncset.done $0x0  }
0x2c: {  	s4 =	simm.s32 $0x40;
	[sflag:s26] =	ssyncadd.s32 $0xFFFFFC00  }
.LBB2_1:
0x2d: {  	[dreg:$0xa] =	wrdreg s2  }
0x2e: {  	s0 =	simm.s32 $0x0;
	s29 =	rddreg [dreg:$0x5];
	s30 =	simm.s32 $0x15  }
0x2f: {  	[tilespmem:s0], [sflag:$0x15] =	stream.linear.gather [hbm4b:s29+s0], $0x6400, $0x38;
	[tilespmem:$0x1E400] =	vst v63  }
0x30: {  	_ =	swait.ge [sflag:s30], $0x6400  }
0x31: {  	[sflag:s30] =	ssyncset.done $0x0  }
0x32: {  	s31 =	simm.s32 $0x6400;
	[sflag:s30] =	ssyncadd.s32 $0xFFFF9C00  }
0x33: {  	[tilespmem:s31], [sflag:$0x1] =	stream.indirect.gather [hbm4b:s1+s4], $0x80, s0, s4, $0xb8;
	[tilespmem:$0x1E400] =	vst v63  }
0x34: {  	s2 =	simm.s32 $0x8400  }
0x35: {  	[tilespmem:s2], [sflag:$0x2] =	stream.indirect.gather [hbm4b:s1+s4], $0x80, s4, s4, $0xb8;
	[tilespmem:$0x1E400] =	vst v63  }
0x36: {  	s3 =	simm.s32 $0x80;
	s12 =	simm.s32 $0xA400  }
0x37: {  	[tilespmem:s12], [sflag:$0x3] =	stream.indirect.gather [hbm4b:s1+s4], $0x80, s3, s4, $0xb8;
	[tilespmem:$0x1E400] =	vst v63  }
0x38: {  	s13 =	simm.s32 $0xC0;
	s15 =	simm.s32 $0xC400  }
0x39: {  	[tilespmem:s15], [sflag:$0x4] =	stream.indirect.gather [hbm4b:s1+s4], $0x80, s13, s4, $0xb8;
	[tilespmem:$0x1E400] =	vst v63  }
0x3a: {  	s18 =	simm.s32 $0x100;
	s22 =	simm.s32 $0xE400  }
0x3b: {  	[tilespmem:s22], [sflag:$0x5] =	stream.indirect.gather [hbm4b:s1+s4], $0x80, s18, s4, $0xb8;
	[tilespmem:$0x1E400] =	vst v63  }
0x3c: {  	s29 =	simm.s32 $0x140;
	s30 =	simm.s32 $0x10400  }
0x3d: {  	[tilespmem:s30], [sflag:$0x6] =	stream.indirect.gather [hbm4b:s1+s4], $0x80, s29, s4, $0xb8;
	[tilespmem:$0x1E400] =	vst v63  }
0x3e: {  	s31 =	simm.s32 $0x180;
	s0 =	simm.s32 $0x380;
	s12 =	simm.s32 $0x0  }
0x3f: {  	[tilespmem:s28], [sflag:$0x7] =	stream.indirect.gather [hbm4b:s1+s4], $0x80, s31, s4, $0xb8;
	[tilespmem:$0x1E400] =	vst v63  }
.LBB2_2:
0x40: {  	s2 =	simm.s32 $0x1  }
0x41: {  	_ =	swait.ge [sflag:s2], $0x2000  }
0x42: {  	p0 =	sne.s32 s12, $0x0;
	[sflag:s2] =	ssyncset.done $0x0  }
0x43: {  	[sflag:s2] =	ssyncadd.s32 $0xFFFFE000;
	s2 =	simm.s32 @p0 $0x11  }
0x44: {  	_ =	swait.ge @p0 [sflag:s2], $0x400  }
0x45: {  	[sflag:s2] =	ssyncset.done @p0 $0x0  }
0x46: {  	[sflag:s2] =	ssyncadd.s32 @p0 $0xFFFFFC00;
	s2 =	simm.s32 @p0 $0x6400  }
0x47: {  	[spmem:s5] =	stream.linear.scatter @p0 [tilespmem:s2], [sflag:$0x9], $0x2000, $0x38;
	[tilespmem:$0x1E400] =	vst v63  }
0x48: {  	s2 =	simm.s32 @p0 $0x10  }
0x49: {  	_ =	swait.ge @p0 [sflag:s2], $0x2000  }
0x4a: {  	s3 =	stileid.u32;
	[sflag:s2] =	ssyncset.done @p0 $0x0  }
0x4b: {  	s13 =	sshll.u32 @p0 s3, $0x6;
	[sflag:s2] =	ssyncadd.s32 @p0 $0xFFFFE000;
	s2 =	sadd.s32 @p0 s12, s11  }
0x4c: {  	s15 =	sshrl.u32 @p0 s6, $0x3;
	s13 =	sor.u32 @p0 $0x1C14, s13;
	s2 =	sadd.s32 @p0 $0xFFFFFC00, s2  }
0x4d: {  	[hbm:s2], [sflag:s13] =	dma.local @p0 [spmem:s15], $0x400  }
0x4e: {  	s2 =	simm.s32 @!p0 $0x6400  }
0x4f: {  	[spmem:s5] =	stream.linear.scatter @!p0 [tilespmem:s2], [sflag:$0x9], $0x2000, $0x38;
	[tilespmem:$0x1E400] =	vst v63  }
0x50: {  	s18 =	simm.s32 $0x2;
	s15 =	sadd.s32 $0xFFFFFE40, s0  }
0x51: {  	[tilespmem:s24], [sflag:$0x8] =	stream.indirect.gather [hbm4b:s1+s4], $0x80, s15, s4, $0xb8;
	[tilespmem:$0x1E400] =	vst v63  }
0x52: {  	_ =	swait.ge [sflag:s18], $0x2000  }
0x53: {  	p0 =	seq.s32 s12, $0x0;
	[sflag:s18] =	ssyncset.done $0x0  }
0x54: {  	s2 =	simm.s32 @!p0 $0x12;
	[sflag:s18] =	ssyncadd.s32 $0xFFFFE000  }
0x55: {  	_ =	swait.ge @!p0 [sflag:s2], $0x400  }
0x56: {  	[sflag:s2] =	ssyncset.done @!p0 $0x0  }
0x57: {  	s22 =	simm.s32 $0x8400;
	p1 =	sne.s32 s12, $0x62000;
	[sflag:s2] =	ssyncadd.s32 @!p0 $0xFFFFFC00  }
0x58: {  	[spmem:s9] =	stream.linear.scatter [tilespmem:s22], [sflag:$0xA], $0x2000, $0x38;
	[tilespmem:$0x1E400] =	vst v63  }
.Ltmp2:
0x59: {  	s24 =	simm.s32 $0x9;
	(pc) =	sbr.rel @p1 .LBB2_4-.Ltmp2, $4  }
0x5a: {  	s30 =	sshrl.u32 s5, $0x3;
	_ =	swait.ge [sflag:s24], $0x2000  }
0x5b: {  	s31 =	sshll.u32 s3, $0x6;
	[sflag:s24] =	ssyncset.done $0x0;
	s29 =	rddreg [dreg:$0x9]  }
0x5c: {  	s28 =	sor.u32 $0x1C11, s31;
	[sflag:s24] =	ssyncadd.s32 $0xFFFFE000;
	s2 =	sadd.s32 s12, s29  }
0x5d: {  	[hbm:s2], [sflag:s28] =	dma.local [spmem:s30], $0x400  }
.Ltmp3:
0x5e: {  	(pc) =	sbr.rel .LBB2_5-.Ltmp3, $4  }
0x5f: {  	s2 =	simm.s32 $0x3  }
0x60: {  	_ =	swait.ge [sflag:s2], $0x2000  }
0x61: {  	[sflag:s2] =	ssyncset.done $0x0  }
0x62: {  	[sflag:s2] =	ssyncadd.s32 $0xFFFFE000  }
.LBB2_4:
0x63: {  	s2 =	sadd.s32 $0xFFFFFE80, s0  }
.Ltmp4:
0x64: {  	s3 =	simm.s32 $0x6400;
	s29 =	simm.s32 $0x3;
	(pc) =	sbr.rel @p0 .LBB2_6-.Ltmp4, $4  }
0x65: {  	[tilespmem:s3], [sflag:$0x1] =	stream.indirect.gather [hbm4b:s1+s4], $0x80, s2, s4, $0xb8;
	[tilespmem:$0x1E400] =	vst v63  }
0x66: {  	_ =	swait.ge [sflag:s29], $0x2000  }
0x67: {  	[sflag:s29] =	ssyncset.done $0x0  }
0x68: {  	[sflag:s29] =	ssyncadd.s32 $0xFFFFE000  }
.LBB2_5:
0x69: {  	_ =	swait.ge [sflag:s20], $0x400  }
0x6a: {  	[sflag:s20] =	ssyncset.done $0x0  }
0x6b: {  	[sflag:s20] =	ssyncadd.s32 $0xFFFFFC00  }
.LBB2_6:
0x6c: {  	s2 =	simm.s32 $0xA400  }
0x6d: {  	[spmem:s10] =	stream.linear.scatter [tilespmem:s2], [sflag:$0xB], $0x2000, $0x38;
	[tilespmem:$0x1E400] =	vst v63  }
.Ltmp5:
0x6e: {  	s22 =	simm.s32 $0xA;
	(pc) =	sbr.rel @p1 .LBB2_8-.Ltmp5, $4  }
0x6f: {  	_ =	swait.ge [sflag:s22], $0x2000  }
0x70: {  	s13 =	sadd.s32 s12, s11;
	s29 =	sor.u32 $0x1C12, s31;
	[sflag:s22] =	ssyncset.done $0x0  }
0x71: {  	s15 =	sshrl.u32 s9, $0x3;
	s24 =	sadd.s32 $0x400, s13;
	[sflag:s22] =	ssyncadd.s32 $0xFFFFE000  }
0x72: {  	[hbm:s24], [sflag:s29] =	dma.local [spmem:s15], $0x400  }
.Ltmp6:
0x73: {  	(pc) =	sbr.rel .LBB2_9-.Ltmp6, $4  }
0x74: {  	s2 =	simm.s32 $0x4  }
0x75: {  	_ =	swait.ge [sflag:s2], $0x2000  }
0x76: {  	[sflag:s2] =	ssyncset.done $0x0  }
0x77: {  	[sflag:s2] =	ssyncadd.s32 $0xFFFFE000  }
.LBB2_8:
0x78: {  	s2 =	sadd.s32 $0xFFFFFEC0, s0  }
.Ltmp7:
0x79: {  	s3 =	simm.s32 $0x8400;
	s24 =	simm.s32 $0x4;
	(pc) =	sbr.rel @p0 .LBB2_10-.Ltmp7, $4  }
0x7a: {  	[tilespmem:s3], [sflag:$0x2] =	stream.indirect.gather [hbm4b:s1+s4], $0x80, s2, s4, $0xb8;
	[tilespmem:$0x1E400] =	vst v63  }
0x7b: {  	_ =	swait.ge [sflag:s24], $0x2000  }
0x7c: {  	[sflag:s24] =	ssyncset.done $0x0  }
0x7d: {  	[sflag:s24] =	ssyncadd.s32 $0xFFFFE000  }
.LBB2_9:
0x7e: {  	_ =	swait.ge [sflag:s26], $0x400  }
0x7f: {  	[sflag:s26] =	ssyncset.done $0x0  }
0x80: {  	[sflag:s26] =	ssyncadd.s32 $0xFFFFFC00  }
.LBB2_10:
0x81: {  	s2 =	simm.s32 $0xC400;
	s24 =	simm.s32 $0xB  }
0x82: {  	[spmem:s6] =	stream.linear.scatter [tilespmem:s2], [sflag:$0xC], $0x2000, $0x38;
	[tilespmem:$0x1E400] =	vst v63  }
0x83: {  	p0 =	seq.s32 s12, $0x62000;
	s18 =	sshrl.u32 s10, $0x3;
	_ =	swait.ge [sflag:s24], $0x2000  }
0x84: {  	s4 =	simm.s32 $0x5;
	[sflag:s24] =	ssyncset.done $0x0;
	s3 =	rddreg [dreg:$0x8]  }
0x85: {  	s2 =	sor.u32 $0x1C13, s31;
	[sflag:s24] =	ssyncadd.s32 $0xFFFFE000;
	s22 =	sadd.s32 s12, s3  }
0x86: {  	[hbm:s22], [sflag:s2] =	dma.local [spmem:s18], $0x400  }
0x87: {  	s24 =	simm.s32 @!p0 $0x40;
	s3 =	simm.s32 @!p0 $0xA400;
	s22 =	sadd.s32 @!p0 $0xFFFFFF00, s0  }
0x88: {  	[tilespmem:s3], [sflag:$0x3] =	stream.indirect.gather @!p0 [hbm4b:s1+s24], $0x80, s22, s24, $0xb8;
	[tilespmem:$0x1E400] =	vst v63  }
0x89: {  	_ =	swait.ge [sflag:s4], $0x2000  }
0x8a: {  	[sflag:s4] =	ssyncset.done $0x0  }
0x8b: {  	[sflag:s4] =	ssyncadd.s32 $0xFFFFE000  }
0x8c: {  	_ =	swait.ge [sflag:s7], $0x400  }
0x8d: {  	[sflag:s7] =	ssyncset.done $0x0  }
0x8e: {  	s22 =	simm.s32 $0xE400;
	[sflag:s7] =	ssyncadd.s32 $0xFFFFFC00  }
0x8f: {  	[spmem:s5] =	stream.linear.scatter [tilespmem:s22], [sflag:$0xD], $0x2000, $0x38;
	[tilespmem:$0x1E400] =	vst v63  }
0x90: {  	_ =	swait.ge [sflag:s8], $0x2000  }
0x91: {  	s31 =	sor.u32 $0x1C14, s31;
	[sflag:s8] =	ssyncset.done $0x0  }
0x92: {  	s4 =	sadd.s32 $0xC00, s13;
	s22 =	sshrl.u32 s6, $0x3;
	[sflag:s8] =	ssyncadd.s32 $0xFFFFE000  }
0x93: {  	[hbm:s4], [sflag:s31] =	dma.local [spmem:s22], $0x400  }
0x94: {  	s3 =	sadd.s32 @!p0 $0xFFFFFF40, s0;
	s4 =	simm.s32 @!p0 $0xC400  }
0x95: {  	[tilespmem:s4], [sflag:$0x4] =	stream.indirect.gather @!p0 [hbm4b:s1+s24], $0x80, s3, s24, $0xb8;
	[tilespmem:$0x1E400] =	vst v63  }
0x96: {  	_ =	swait.ge [sflag:s14], $0x2000  }
0x97: {  	[sflag:s14] =	ssyncset.done $0x0  }
0x98: {  	[sflag:s14] =	ssyncadd.s32 $0xFFFFE000  }
0x99: {  	_ =	swait.ge [sflag:s16], $0x400  }
0x9a: {  	[sflag:s16] =	ssyncset.done $0x0  }
0x9b: {  	s4 =	simm.s32 $0x10400;
	[sflag:s16] =	ssyncadd.s32 $0xFFFFFC00  }
0x9c: {  	[spmem:s9] =	stream.linear.scatter [tilespmem:s4], [sflag:$0xE], $0x2000, $0x38;
	[tilespmem:$0x1E400] =	vst v63  }
0x9d: {  	_ =	swait.ge [sflag:s19], $0x2000  }
0x9e: {  	[sflag:s19] =	ssyncset.done $0x0  }
0x9f: {  	s4 =	sadd.s32 $0x1000, s13;
	[sflag:s19] =	ssyncadd.s32 $0xFFFFE000  }
0xa0: {  	[hbm:s4], [sflag:s28] =	dma.local [spmem:s30], $0x400  }
0xa1: {  	s3 =	sadd.s32 @!p0 $0xFFFFFF80, s0;
	s4 =	simm.s32 @!p0 $0xE400  }
0xa2: {  	[tilespmem:s4], [sflag:$0x5] =	stream.indirect.gather @!p0 [hbm4b:s1+s24], $0x80, s3, s24, $0xb8;
	[tilespmem:$0x1E400] =	vst v63  }
0xa3: {  	_ =	swait.ge [sflag:s21], $0x2000  }
0xa4: {  	[sflag:s21] =	ssyncset.done $0x0  }
0xa5: {  	[sflag:s21] =	ssyncadd.s32 $0xFFFFE000  }
0xa6: {  	_ =	swait.ge [sflag:s20], $0x400  }
0xa7: {  	[sflag:s20] =	ssyncset.done $0x0  }
0xa8: {  	s28 =	simm.s32 $0x12400;
	[sflag:s20] =	ssyncadd.s32 $0xFFFFFC00  }
0xa9: {  	[spmem:s10] =	stream.linear.scatter [tilespmem:s28], [sflag:$0xF], $0x2000, $0x38;
	[tilespmem:$0x1E400] =	vst v63  }
0xaa: {  	_ =	swait.ge [sflag:s23], $0x2000  }
0xab: {  	[sflag:s23] =	ssyncset.done $0x0  }
0xac: {  	s4 =	sadd.s32 $0x1400, s13;
	[sflag:s23] =	ssyncadd.s32 $0xFFFFE000  }
0xad: {  	[hbm:s4], [sflag:s29] =	dma.local [spmem:s15], $0x400  }
0xae: {  	s3 =	sadd.s32 @!p0 $0xFFFFFFC0, s0;
	s4 =	simm.s32 @!p0 $0x10400  }
0xaf: {  	[tilespmem:s4], [sflag:$0x6] =	stream.indirect.gather @!p0 [hbm4b:s1+s24], $0x80, s3, s24, $0xb8;
	[tilespmem:$0x1E400] =	vst v63  }
0xb0: {  	_ =	swait.ge [sflag:s25], $0x2000  }
0xb1: {  	[sflag:s25] =	ssyncset.done $0x0  }
0xb2: {  	[sflag:s25] =	ssyncadd.s32 $0xFFFFE000  }
0xb3: {  	_ =	swait.ge [sflag:s26], $0x400  }
0xb4: {  	[sflag:s26] =	ssyncset.done $0x0  }
0xb5: {  	s24 =	simm.s32 $0x14400;
	[sflag:s26] =	ssyncadd.s32 $0xFFFFFC00  }
0xb6: {  	[spmem:s6] =	stream.linear.scatter [tilespmem:s24], [sflag:$0x10], $0x2000, $0x38;
	[tilespmem:$0x1E400] =	vst v63  }
.Ltmp8:
0xb7: {  	_ = 	snop;
	(pc) =	sbr.rel @p0 .LBB2_12-.Ltmp8, $4  }
0xb8: {  	_ =	swait.ge [sflag:s17], $0x2000  }
0xb9: {  	[sflag:s17] =	ssyncset.done $0x0  }
0xba: {  	s30 =	sadd.s32 $0x1800, s13;
	[sflag:s17] =	ssyncadd.s32 $0xFFFFE000  }
0xbb: {  	[hbm:s30], [sflag:s2] =	dma.local [spmem:s18], $0x400  }
.Ltmp9:
0xbc: {  	(pc) =	sbr.rel .LBB2_2-.Ltmp9, $4  }
0xbd: {  	_ = 	snop  }
0xbe: {  	s4 =	simm.s32 $0x40  }
0xbf: {  	[tilespmem:s28], [sflag:$0x7] =	stream.indirect.gather [hbm4b:s1+s4], $0x80, s0, s4, $0xb8;
	[tilespmem:$0x1E400] =	vst v63  }
0xc0: {  	s12 =	sadd.s32 $0x2000, s12;
	s0 =	sadd.s32 $0x200, s0  }
.LBB2_13:
0xc1: {  	_ =	sfence.sel $0x180000  }
0xc2: {  	[bflag:$0x0] =	sbarrier.arrive $0xFFFF  }
0xc3: {  	_ =	strace $0x90000047  }
0xc4: {  	s0 =	stileid.u32;
	[bflag:$0x2] =	sbarrier.arrive $0xFFFF  }
0xc5: {  	p0 =	sne.s32 s0, $0x0;
	s0 =	rddreg [dreg:$0x4]  }
0xc6: {  	s0 =	sadd.s32 @!p0 $0x100000, s0  }
0xc7: {  	[sflag:s0] =	ssyncadd.tile.s32 @!p0 $0x1;
	_ =	shalt  }
.Lfunc_end2:
_tile_overlayer_lowered:
.L_overlay_start_2:
0xc8: {  	(tag) =	ssettag $0x2  }
0xc9: {  	s0 =	rddreg [dreg:$0x0];
	s2 =	stileid.u32  }
0xca: {  	s1 =	rddreg [dreg:$0x1];
	p0 =	sne.s32 s2, $0x0  }
0xcb: {  	s3 =	rddreg [dreg:$0x2];
	[bflag:$0x3] =	sbarrier.arrive $0xFFFF;
	s2 =	simm.s32 @!p0 $0x1C15  }
0xcc: {  	[timem:s3], [sflag:s2] =	dma.local @!p0 [hbm:s0], s1  }
0xcd: {  	s0 =	simm.s32 @!p0 $0x15  }
0xce: {  	_ =	swait.ge @!p0 [sflag:s0], s1  }
0xcf: {  	s1 =	ssub.s32 @!p0 $0x0, s1;
	[sflag:s0] =	ssyncset.done @!p0 $0x0  }
0xd0: {  	[sflag:s0] =	ssyncadd.s32 @!p0 s1  }
0xd1: {  	[bflag:$0x3] =	sbarrier.arrive $0xFFFF  }
0xd2: {  	_ =	shalt  }

</sc_bundles>
